<compile_context>
chip_gen: v7x
topology: tpu7x:2x2x1
jax: 0.10.2.dev20260603
libtpu: 0.0.44.dev20260713+nightly
codegen_flags: <defaults>
</compile_context>

<pallas_src>
import jax
import jax.numpy as jnp
from jax import lax
from jax.experimental import pallas as pl
from jax.experimental.pallas import tpu as pltpu
from jax.experimental.pallas import tpu_sc as plsc

VOCAB = 1000000
D = 64
BATCH = 4096
HIST = 50
NC = 2
NS = 16
NW = NC * NS
CHUNK = BATCH // NW
L = 16
NBUF = 5
N_GROUPS = HIST // NBUF


def _emb_body(idx_hbm, table_hbm, out_hbm, idx_v, rows_v, *sems):
    gsems, osems = sems[:NBUF], sems[NBUF:]
    wid = lax.axis_index("s") * NC + lax.axis_index("c")
    b0 = wid * CHUNK
    pltpu.sync_copy(idx_hbm.at[:, pl.ds(b0, CHUNK)], idx_v)

    @plsc.parallel_loop(0, HIST)
    def _double_row(r):
        for j in range(CHUNK // L):
            idx_v[r, pl.ds(j * L, L)] = idx_v[r, pl.ds(j * L, L)] * 2

    def g_desc(k, b):
        return pltpu.make_async_copy(
            table_hbm.at[idx_v.at[k]], rows_v.at[b], gsems[b])

    def o_desc(k, b):
        return pltpu.make_async_copy(
            rows_v.at[b], out_hbm.at[pl.ds(b0, CHUNK), k], osems[b])

    for b in range(NBUF):
        g_desc(b, b).start()

    def group(g, carry):
        for b in range(NBUF):
            k = g * NBUF + b
            g_desc(k, b).wait()
            o_desc(k, b).start()
            o_desc(k, b).wait()
            g_desc(k + NBUF, b).start()
        return carry

    lax.fori_loop(0, N_GROUPS - 1, group, 0)

    for b in range(NBUF):
        k = (N_GROUPS - 1) * NBUF + b
        g_desc(k, b).wait()
        o_desc(k, b).start()
    for b in range(NBUF):
        k = (N_GROUPS - 1) * NBUF + b
        o_desc(k, b).wait()


@jax.jit
def kernel(x, table):
    xt = x.T.astype(jnp.int32)
    tp = jnp.pad(table, ((0, 0), (0, D))).reshape(2 * VOCAB, D)
    run = pl.kernel(
        _emb_body,
        mesh=plsc.VectorSubcoreMesh(core_axis_name="c", subcore_axis_name="s"),
        out_type=jax.ShapeDtypeStruct((BATCH, HIST, D), jnp.float32),
        scratch_types=[
            pltpu.VMEM((HIST, CHUNK), jnp.int32),
            pltpu.VMEM((NBUF, CHUNK, D), jnp.float32),
        ] + [pltpu.SemaphoreType.DMA] * (2 * NBUF),
        compiler_params=pltpu.CompilerParams(use_tc_tiling_on_sc=False),
    )
    return run(xt, tp)

# --- scband reference (transcript-rebuilt; emitter-appended) ---
"""Pipeline reference for scband-py-torch-word-embeddings-80487687127405 (READ-ONLY COPY).

The authoritative reference and input builder live on the scoring server;
editing this copy changes nothing except your own understanding.
"""

import jax, jax.numpy as jnp
import numpy as np

VOCAB = 1000000
EMBED_DIM = 64
BATCH = 4096
HIST = 50

def setup_inputs(seed: int = 0) -> dict:
    key = jax.random.key(seed)
    k_idx, k_tab = jax.random.split(key)
    x = jax.random.randint(k_idx, (BATCH, HIST), 0, VOCAB, dtype=jnp.int64)
    table = jax.random.normal(k_tab, (VOCAB, EMBED_DIM), dtype=jnp.float32) * 0.02
    return {"x": x, "table": table}

def reference(x, table):
    # PyTorchWordEmbeddings.forward: self.embeddings(x) -> nn.Embedding lookup
    return jnp.take(table, x, axis=0)

if __name__ == "__main__":
    import jax
    _d = setup_inputs()
    print(jax.jit(kernel)(*tuple(_d.values())))

</pallas_src>

<mosaic_0001>
#map = affine_map<(d0, d1) -> (0, 0)>
#map1 = affine_map<(d0, d1) -> (0, 0, 0)>
module attributes {stable_mosaic.version = 14 : i64} {
  func.func @_emb_body(%arg0: i32, %arg1: i32, %arg2: memref<50x4096xi32, #tpu.memory_space<hbm>>, %arg3: memref<2000000x64xf32, #tpu.memory_space<hbm>>, %arg4: memref<4096x50x64xf32, #tpu.memory_space<hbm>>, %arg5: memref<50x128xi32, #tpu.memory_space<vmem>>, %arg6: memref<5x128x64xf32, #tpu.memory_space<vmem>>, %arg7: memref<!tpu.dma_semaphore, #tpu.memory_space<semaphore_mem>>, %arg8: memref<!tpu.dma_semaphore, #tpu.memory_space<semaphore_mem>>, %arg9: memref<!tpu.dma_semaphore, #tpu.memory_space<semaphore_mem>>, %arg10: memref<!tpu.dma_semaphore, #tpu.memory_space<semaphore_mem>>, %arg11: memref<!tpu.dma_semaphore, #tpu.memory_space<semaphore_mem>>, %arg12: memref<!tpu.dma_semaphore, #tpu.memory_space<semaphore_mem>>, %arg13: memref<!tpu.dma_semaphore, #tpu.memory_space<semaphore_mem>>, %arg14: memref<!tpu.dma_semaphore, #tpu.memory_space<semaphore_mem>>, %arg15: memref<!tpu.dma_semaphore, #tpu.memory_space<semaphore_mem>>, %arg16: memref<!tpu.dma_semaphore, #tpu.memory_space<semaphore_mem>>) attributes {dimension_semantics = [#tpu.dimension_semantics<core_parallel>, #tpu.dimension_semantics<subcore_parallel>], iteration_bounds = array<i64: 2, 16>, scalar_prefetch = 0 : i64, scratch_operands = 12 : i64, tpu.core_type = #tpu.core_type<sc_vector_subcore>, window_params = [{transform_indices = #map}, {transform_indices = #map}, {transform_indices = #map1}]} {
    %mul3A = arith.constant 2 : i32
    %mul3A_0 = arith.muli %arg1, %mul3A : i32
    %add3A = arith.addi %mul3A_0, %arg0 : i32
    %mul3A_1 = arith.constant 128 : i32
    %mul3A_2 = arith.muli %add3A, %mul3A_1 : i32
    "tpu.region"() ({
      %run_scoped3A = tpu.sem_alloc : memref<!tpu.dma_semaphore, #tpu.memory_space<semaphore_mem>>
      %dma_start3A_288 = arith.constant 0 : i32
      %dma_start3A_289 = tpu.memref_slice %arg2[%dma_start3A_288, %mul3A_2] : memref<50x4096xi32, #tpu.memory_space<hbm>> -> memref<50x128xi32, #tpu.memory_space<hbm>>
      %dma_start3A_290 = arith.constant 0 : i32
      %dma_start3A_291 = tpu.memref_slice %arg2[%dma_start3A_290, %mul3A_2] : memref<50x4096xi32, #tpu.memory_space<hbm>> -> memref<50x128xi32, #tpu.memory_space<hbm>>
      tpu.enqueue_dma source(%dma_start3A_291 : memref<50x128xi32, #tpu.memory_space<hbm>>) target(%arg5 : memref<50x128xi32, #tpu.memory_space<vmem>>) target_semaphore(%run_scoped3A : memref<!tpu.dma_semaphore, #tpu.memory_space<semaphore_mem>>)
      %dma_wait3A_292 = arith.constant 0 : i32
      %dma_wait3A_293 = tpu.memref_slice %arg2[%dma_wait3A_292, %mul3A_2] : memref<50x4096xi32, #tpu.memory_space<hbm>> -> memref<50x128xi32, #tpu.memory_space<hbm>>
      %dma_wait3A_294 = arith.constant 0 : i32
      %dma_wait3A_295 = tpu.memref_slice %arg2[%dma_wait3A_294, %mul3A_2] : memref<50x4096xi32, #tpu.memory_space<hbm>> -> memref<50x128xi32, #tpu.memory_space<hbm>>
      tpu.wait_dma2 semaphore(%run_scoped3A : memref<!tpu.dma_semaphore, #tpu.memory_space<semaphore_mem>>) src(%dma_wait3A_295 : memref<50x128xi32, #tpu.memory_space<hbm>>) dst(%arg5 : memref<50x128xi32, #tpu.memory_space<vmem>>)
      tpu.yield
    }) : () -> ()
    %parallel_loop3A = arith.constant 0 : i32
    %parallel_loop3A_3 = arith.constant 50 : i32
    %parallel_loop3A_4 = arith.constant 1 : i32
    scf.for %parallel_loop3A_288 = %parallel_loop3A to %parallel_loop3A_3 step %parallel_loop3A_4  : i32 {
      %parallel_loop3A_289 = arith.index_cast %parallel_loop3A_288 : i32 to index
      %parallel_loop3A_290 = arith.constant 0 : index
      %parallel_loop3A_291 = tpu.vector_load %arg5[%parallel_loop3A_289, %parallel_loop3A_290] {strides = array<i32>} : memref<50x128xi32, #tpu.memory_space<vmem>>, vector<1x16xi32>,
      %parallel_loop3A_292 = vector.shape_cast %parallel_loop3A_291 : vector<1x16xi32> to vector<16xi32>
      %parallel_loop3A_293 = arith.constant 2 : i32
      %parallel_loop3A_294 = vector.broadcast %parallel_loop3A_293 : i32 to vector<16xi32>
      %parallel_loop3A_295 = arith.muli %parallel_loop3A_292, %parallel_loop3A_294 : vector<16xi32>
      %parallel_loop3A_296 = arith.index_cast %parallel_loop3A_288 : i32 to index
      %parallel_loop3A_297 = arith.constant 0 : index
      %parallel_loop3A_298 = tpu.vector_load %arg5[%parallel_loop3A_296, %parallel_loop3A_297] {strides = array<i32>} : memref<50x128xi32, #tpu.memory_space<vmem>>, vector<1x16xi32>,
      %parallel_loop3A_299 = vector.shape_cast %parallel_loop3A_298 : vector<1x16xi32> to vector<16xi32>
      %parallel_loop3A_300 = vector.shape_cast %parallel_loop3A_295 : vector<16xi32> to vector<1x16xi32>
      tpu.vector_store %arg5[%parallel_loop3A_296, %parallel_loop3A_297], %parallel_loop3A_300 {strides = array<i32>} : memref<50x128xi32, #tpu.memory_space<vmem>>, vector<1x16xi32>,
      %parallel_loop3A_301 = arith.index_cast %parallel_loop3A_288 : i32 to index
      %parallel_loop3A_302 = arith.constant 16 : index
      %parallel_loop3A_303 = tpu.vector_load %arg5[%parallel_loop3A_301, %parallel_loop3A_302] {strides = array<i32>} : memref<50x128xi32, #tpu.memory_space<vmem>>, vector<1x16xi32>,
      %parallel_loop3A_304 = vector.shape_cast %parallel_loop3A_303 : vector<1x16xi32> to vector<16xi32>
      %parallel_loop3A_305 = arith.constant 2 : i32
      %parallel_loop3A_306 = vector.broadcast %parallel_loop3A_305 : i32 to vector<16xi32>
      %parallel_loop3A_307 = arith.muli %parallel_loop3A_304, %parallel_loop3A_306 : vector<16xi32>
      %parallel_loop3A_308 = arith.index_cast %parallel_loop3A_288 : i32 to index
      %parallel_loop3A_309 = arith.constant 16 : index
      %parallel_loop3A_310 = tpu.vector_load %arg5[%parallel_loop3A_308, %parallel_loop3A_309] {strides = array<i32>} : memref<50x128xi32, #tpu.memory_space<vmem>>, vector<1x16xi32>,
      %parallel_loop3A_311 = vector.shape_cast %parallel_loop3A_310 : vector<1x16xi32> to vector<16xi32>
      %parallel_loop3A_312 = vector.shape_cast %parallel_loop3A_307 : vector<16xi32> to vector<1x16xi32>
      tpu.vector_store %arg5[%parallel_loop3A_308, %parallel_loop3A_309], %parallel_loop3A_312 {strides = array<i32>} : memref<50x128xi32, #tpu.memory_space<vmem>>, vector<1x16xi32>,
      %parallel_loop3A_313 = arith.index_cast %parallel_loop3A_288 : i32 to index
      %parallel_loop3A_314 = arith.constant 32 : index
      %parallel_loop3A_315 = tpu.vector_load %arg5[%parallel_loop3A_313, %parallel_loop3A_314] {strides = array<i32>} : memref<50x128xi32, #tpu.memory_space<vmem>>, vector<1x16xi32>,
      %parallel_loop3A_316 = vector.shape_cast %parallel_loop3A_315 : vector<1x16xi32> to vector<16xi32>
      %parallel_loop3A_317 = arith.constant 2 : i32
      %parallel_loop3A_318 = vector.broadcast %parallel_loop3A_317 : i32 to vector<16xi32>
      %parallel_loop3A_319 = arith.muli %parallel_loop3A_316, %parallel_loop3A_318 : vector<16xi32>
      %parallel_loop3A_320 = arith.index_cast %parallel_loop3A_288 : i32 to index
      %parallel_loop3A_321 = arith.constant 32 : index
      %parallel_loop3A_322 = tpu.vector_load %arg5[%parallel_loop3A_320, %parallel_loop3A_321] {strides = array<i32>} : memref<50x128xi32, #tpu.memory_space<vmem>>, vector<1x16xi32>,
      %parallel_loop3A_323 = vector.shape_cast %parallel_loop3A_322 : vector<1x16xi32> to vector<16xi32>
      %parallel_loop3A_324 = vector.shape_cast %parallel_loop3A_319 : vector<16xi32> to vector<1x16xi32>
      tpu.vector_store %arg5[%parallel_loop3A_320, %parallel_loop3A_321], %parallel_loop3A_324 {strides = array<i32>} : memref<50x128xi32, #tpu.memory_space<vmem>>, vector<1x16xi32>,
      %parallel_loop3A_325 = arith.index_cast %parallel_loop3A_288 : i32 to index
      %parallel_loop3A_326 = arith.constant 48 : index
      %parallel_loop3A_327 = tpu.vector_load %arg5[%parallel_loop3A_325, %parallel_loop3A_326] {strides = array<i32>} : memref<50x128xi32, #tpu.memory_space<vmem>>, vector<1x16xi32>,
      %parallel_loop3A_328 = vector.shape_cast %parallel_loop3A_327 : vector<1x16xi32> to vector<16xi32>
      %parallel_loop3A_329 = arith.constant 2 : i32
      %parallel_loop3A_330 = vector.broadcast %parallel_loop3A_329 : i32 to vector<16xi32>
      %parallel_loop3A_331 = arith.muli %parallel_loop3A_328, %parallel_loop3A_330 : vector<16xi32>
      %parallel_loop3A_332 = arith.index_cast %parallel_loop3A_288 : i32 to index
      %parallel_loop3A_333 = arith.constant 48 : index
      %parallel_loop3A_334 = tpu.vector_load %arg5[%parallel_loop3A_332, %parallel_loop3A_333] {strides = array<i32>} : memref<50x128xi32, #tpu.memory_space<vmem>>, vector<1x16xi32>,
      %parallel_loop3A_335 = vector.shape_cast %parallel_loop3A_334 : vector<1x16xi32> to vector<16xi32>
      %parallel_loop3A_336 = vector.shape_cast %parallel_loop3A_331 : vector<16xi32> to vector<1x16xi32>
      tpu.vector_store %arg5[%parallel_loop3A_332, %parallel_loop3A_333], %parallel_loop3A_336 {strides = array<i32>} : memref<50x128xi32, #tpu.memory_space<vmem>>, vector<1x16xi32>,
      %parallel_loop3A_337 = arith.index_cast %parallel_loop3A_288 : i32 to index
      %parallel_loop3A_338 = arith.constant 64 : index
      %parallel_loop3A_339 = tpu.vector_load %arg5[%parallel_loop3A_337, %parallel_loop3A_338] {strides = array<i32>} : memref<50x128xi32, #tpu.memory_space<vmem>>, vector<1x16xi32>,
      %parallel_loop3A_340 = vector.shape_cast %parallel_loop3A_339 : vector<1x16xi32> to vector<16xi32>
      %parallel_loop3A_341 = arith.constant 2 : i32
      %parallel_loop3A_342 = vector.broadcast %parallel_loop3A_341 : i32 to vector<16xi32>
      %parallel_loop3A_343 = arith.muli %parallel_loop3A_340, %parallel_loop3A_342 : vector<16xi32>
      %parallel_loop3A_344 = arith.index_cast %parallel_loop3A_288 : i32 to index
      %parallel_loop3A_345 = arith.constant 64 : index
      %parallel_loop3A_346 = tpu.vector_load %arg5[%parallel_loop3A_344, %parallel_loop3A_345] {strides = array<i32>} : memref<50x128xi32, #tpu.memory_space<vmem>>, vector<1x16xi32>,
      %parallel_loop3A_347 = vector.shape_cast %parallel_loop3A_346 : vector<1x16xi32> to vector<16xi32>
      %parallel_loop3A_348 = vector.shape_cast %parallel_loop3A_343 : vector<16xi32> to vector<1x16xi32>
      tpu.vector_store %arg5[%parallel_loop3A_344, %parallel_loop3A_345], %parallel_loop3A_348 {strides = array<i32>} : memref<50x128xi32, #tpu.memory_space<vmem>>, vector<1x16xi32>,
      %parallel_loop3A_349 = arith.index_cast %parallel_loop3A_288 : i32 to index
      %parallel_loop3A_350 = arith.constant 80 : index
      %parallel_loop3A_351 = tpu.vector_load %arg5[%parallel_loop3A_349, %parallel_loop3A_350] {strides = array<i32>} : memref<50x128xi32, #tpu.memory_space<vmem>>, vector<1x16xi32>,
      %parallel_loop3A_352 = vector.shape_cast %parallel_loop3A_351 : vector<1x16xi32> to vector<16xi32>
      %parallel_loop3A_353 = arith.constant 2 : i32
      %parallel_loop3A_354 = vector.broadcast %parallel_loop3A_353 : i32 to vector<16xi32>
      %parallel_loop3A_355 = arith.muli %parallel_loop3A_352, %parallel_loop3A_354 : vector<16xi32>
      %parallel_loop3A_356 = arith.index_cast %parallel_loop3A_288 : i32 to index
      %parallel_loop3A_357 = arith.constant 80 : index
      %parallel_loop3A_358 = tpu.vector_load %arg5[%parallel_loop3A_356, %parallel_loop3A_357] {strides = array<i32>} : memref<50x128xi32, #tpu.memory_space<vmem>>, vector<1x16xi32>,
      %parallel_loop3A_359 = vector.shape_cast %parallel_loop3A_358 : vector<1x16xi32> to vector<16xi32>
      %parallel_loop3A_360 = vector.shape_cast %parallel_loop3A_355 : vector<16xi32> to vector<1x16xi32>
      tpu.vector_store %arg5[%parallel_loop3A_356, %parallel_loop3A_357], %parallel_loop3A_360 {strides = array<i32>} : memref<50x128xi32, #tpu.memory_space<vmem>>, vector<1x16xi32>,
      %parallel_loop3A_361 = arith.index_cast %parallel_loop3A_288 : i32 to index
      %parallel_loop3A_362 = arith.constant 96 : index
      %parallel_loop3A_363 = tpu.vector_load %arg5[%parallel_loop3A_361, %parallel_loop3A_362] {strides = array<i32>} : memref<50x128xi32, #tpu.memory_space<vmem>>, vector<1x16xi32>,
      %parallel_loop3A_364 = vector.shape_cast %parallel_loop3A_363 : vector<1x16xi32> to vector<16xi32>
      %parallel_loop3A_365 = arith.constant 2 : i32
      %parallel_loop3A_366 = vector.broadcast %parallel_loop3A_365 : i32 to vector<16xi32>
      %parallel_loop3A_367 = arith.muli %parallel_loop3A_364, %parallel_loop3A_366 : vector<16xi32>
      %parallel_loop3A_368 = arith.index_cast %parallel_loop3A_288 : i32 to index
      %parallel_loop3A_369 = arith.constant 96 : index
      %parallel_loop3A_370 = tpu.vector_load %arg5[%parallel_loop3A_368, %parallel_loop3A_369] {strides = array<i32>} : memref<50x128xi32, #tpu.memory_space<vmem>>, vector<1x16xi32>,
      %parallel_loop3A_371 = vector.shape_cast %parallel_loop3A_370 : vector<1x16xi32> to vector<16xi32>
      %parallel_loop3A_372 = vector.shape_cast %parallel_loop3A_367 : vector<16xi32> to vector<1x16xi32>
      tpu.vector_store %arg5[%parallel_loop3A_368, %parallel_loop3A_369], %parallel_loop3A_372 {strides = array<i32>} : memref<50x128xi32, #tpu.memory_space<vmem>>, vector<1x16xi32>,
      %parallel_loop3A_373 = arith.index_cast %parallel_loop3A_288 : i32 to index
      %parallel_loop3A_374 = arith.constant 112 : index
      %parallel_loop3A_375 = tpu.vector_load %arg5[%parallel_loop3A_373, %parallel_loop3A_374] {strides = array<i32>} : memref<50x128xi32, #tpu.memory_space<vmem>>, vector<1x16xi32>,
      %parallel_loop3A_376 = vector.shape_cast %parallel_loop3A_375 : vector<1x16xi32> to vector<16xi32>
      %parallel_loop3A_377 = arith.constant 2 : i32
      %parallel_loop3A_378 = vector.broadcast %parallel_loop3A_377 : i32 to vector<16xi32>
      %parallel_loop3A_379 = arith.muli %parallel_loop3A_376, %parallel_loop3A_378 : vector<16xi32>
      %parallel_loop3A_380 = arith.index_cast %parallel_loop3A_288 : i32 to index
      %parallel_loop3A_381 = arith.constant 112 : index
      %parallel_loop3A_382 = tpu.vector_load %arg5[%parallel_loop3A_380, %parallel_loop3A_381] {strides = array<i32>} : memref<50x128xi32, #tpu.memory_space<vmem>>, vector<1x16xi32>,
      %parallel_loop3A_383 = vector.shape_cast %parallel_loop3A_382 : vector<1x16xi32> to vector<16xi32>
      %parallel_loop3A_384 = vector.shape_cast %parallel_loop3A_379 : vector<16xi32> to vector<1x16xi32>
      tpu.vector_store %arg5[%parallel_loop3A_380, %parallel_loop3A_381], %parallel_loop3A_384 {strides = array<i32>} : memref<50x128xi32, #tpu.memory_space<vmem>>, vector<1x16xi32>,
    } {sc.loop_unroll_factor = 1 : i64, sc.parallel_access}
    %dma_start3A = arith.constant 0 : i32
    %dma_start3A_5 = arith.constant 0 : i32
    %dma_start3A_6 = arith.constant 0 : i32
    %dma_start3A_7 = arith.constant 0 : i32
    %dma_start3A_8 = tpu.memref_slice %arg6[%dma_start3A_5, %dma_start3A_6, %dma_start3A_7] : memref<5x128x64xf32, #tpu.memory_space<vmem>> -> memref<1x128x64xf32, #tpu.memory_space<vmem>>
    %dma_start3A_9 = tpu.memref_squeeze %dma_start3A_8 : memref<1x128x64xf32, #tpu.memory_space<vmem>> -> memref<128x64xf32, #tpu.memory_space<vmem>>
    %dma_start3A_10 = arith.constant 0 : i32
    %dma_start3A_11 = tpu.memref_slice %arg5[%dma_start3A, %dma_start3A_10] : memref<50x128xi32, #tpu.memory_space<vmem>> -> memref<1x128xi32, #tpu.memory_space<vmem>>
    %dma_start3A_12 = tpu.memref_squeeze %dma_start3A_11 : memref<1x128xi32, #tpu.memory_space<vmem>> -> memref<128xi32, #tpu.memory_space<vmem>>
    %dma_start3A_13 = arith.constant 0 : i32
    %dma_start3A_14 = arith.constant 0 : i32
    %dma_start3A_15 = tpu.memref_slice %arg3[%dma_start3A_13, %dma_start3A_14] : memref<2000000x64xf32, #tpu.memory_space<hbm>> -> memref<2000000x64xf32, #tpu.memory_space<hbm>>
    tpu.enqueue_indirect_dma source(%dma_start3A_15 : memref<2000000x64xf32, #tpu.memory_space<hbm>>) target(%dma_start3A_9 : memref<128x64xf32, #tpu.memory_space<vmem>>) offsets(%dma_start3A_12 : memref<128xi32, #tpu.memory_space<vmem>>) semaphore(%arg7 : memref<!tpu.dma_semaphore, #tpu.memory_space<semaphore_mem>>)
    %dma_start3A_16 = arith.constant 1 : i32
    %dma_start3A_17 = arith.constant 1 : i32
    %dma_start3A_18 = arith.constant 0 : i32
    %dma_start3A_19 = arith.constant 0 : i32
    %dma_start3A_20 = tpu.memref_slice %arg6[%dma_start3A_17, %dma_start3A_18, %dma_start3A_19] : memref<5x128x64xf32, #tpu.memory_space<vmem>> -> memref<1x128x64xf32, #tpu.memory_space<vmem>>
    %dma_start3A_21 = tpu.memref_squeeze %dma_start3A_20 : memref<1x128x64xf32, #tpu.memory_space<vmem>> -> memref<128x64xf32, #tpu.memory_space<vmem>>
    %dma_start3A_22 = arith.constant 0 : i32
    %dma_start3A_23 = tpu.memref_slice %arg5[%dma_start3A_16, %dma_start3A_22] : memref<50x128xi32, #tpu.memory_space<vmem>> -> memref<1x128xi32, #tpu.memory_space<vmem>>
    %dma_start3A_24 = tpu.memref_squeeze %dma_start3A_23 : memref<1x128xi32, #tpu.memory_space<vmem>> -> memref<128xi32, #tpu.memory_space<vmem>>
    %dma_start3A_25 = arith.constant 0 : i32
    %dma_start3A_26 = arith.constant 0 : i32
    %dma_start3A_27 = tpu.memref_slice %arg3[%dma_start3A_25, %dma_start3A_26] : memref<2000000x64xf32, #tpu.memory_space<hbm>> -> memref<2000000x64xf32, #tpu.memory_space<hbm>>
    tpu.enqueue_indirect_dma source(%dma_start3A_27 : memref<2000000x64xf32, #tpu.memory_space<hbm>>) target(%dma_start3A_21 : memref<128x64xf32, #tpu.memory_space<vmem>>) offsets(%dma_start3A_24 : memref<128xi32, #tpu.memory_space<vmem>>) semaphore(%arg8 : memref<!tpu.dma_semaphore, #tpu.memory_space<semaphore_mem>>)
    %dma_start3A_28 = arith.constant 2 : i32
    %dma_start3A_29 = arith.constant 2 : i32
    %dma_start3A_30 = arith.constant 0 : i32
    %dma_start3A_31 = arith.constant 0 : i32
    %dma_start3A_32 = tpu.memref_slice %arg6[%dma_start3A_29, %dma_start3A_30, %dma_start3A_31] : memref<5x128x64xf32, #tpu.memory_space<vmem>> -> memref<1x128x64xf32, #tpu.memory_space<vmem>>
    %dma_start3A_33 = tpu.memref_squeeze %dma_start3A_32 : memref<1x128x64xf32, #tpu.memory_space<vmem>> -> memref<128x64xf32, #tpu.memory_space<vmem>>
    %dma_start3A_34 = arith.constant 0 : i32
    %dma_start3A_35 = tpu.memref_slice %arg5[%dma_start3A_28, %dma_start3A_34] : memref<50x128xi32, #tpu.memory_space<vmem>> -> memref<1x128xi32, #tpu.memory_space<vmem>>
    %dma_start3A_36 = tpu.memref_squeeze %dma_start3A_35 : memref<1x128xi32, #tpu.memory_space<vmem>> -> memref<128xi32, #tpu.memory_space<vmem>>
    %dma_start3A_37 = arith.constant 0 : i32
    %dma_start3A_38 = arith.constant 0 : i32
    %dma_start3A_39 = tpu.memref_slice %arg3[%dma_start3A_37, %dma_start3A_38] : memref<2000000x64xf32, #tpu.memory_space<hbm>> -> memref<2000000x64xf32, #tpu.memory_space<hbm>>
    tpu.enqueue_indirect_dma source(%dma_start3A_39 : memref<2000000x64xf32, #tpu.memory_space<hbm>>) target(%dma_start3A_33 : memref<128x64xf32, #tpu.memory_space<vmem>>) offsets(%dma_start3A_36 : memref<128xi32, #tpu.memory_space<vmem>>) semaphore(%arg9 : memref<!tpu.dma_semaphore, #tpu.memory_space<semaphore_mem>>)
    %dma_start3A_40 = arith.constant 3 : i32
    %dma_start3A_41 = arith.constant 3 : i32
    %dma_start3A_42 = arith.constant 0 : i32
    %dma_start3A_43 = arith.constant 0 : i32
    %dma_start3A_44 = tpu.memref_slice %arg6[%dma_start3A_41, %dma_start3A_42, %dma_start3A_43] : memref<5x128x64xf32, #tpu.memory_space<vmem>> -> memref<1x128x64xf32, #tpu.memory_space<vmem>>
    %dma_start3A_45 = tpu.memref_squeeze %dma_start3A_44 : memref<1x128x64xf32, #tpu.memory_space<vmem>> -> memref<128x64xf32, #tpu.memory_space<vmem>>
    %dma_start3A_46 = arith.constant 0 : i32
    %dma_start3A_47 = tpu.memref_slice %arg5[%dma_start3A_40, %dma_start3A_46] : memref<50x128xi32, #tpu.memory_space<vmem>> -> memref<1x128xi32, #tpu.memory_space<vmem>>
    %dma_start3A_48 = tpu.memref_squeeze %dma_start3A_47 : memref<1x128xi32, #tpu.memory_space<vmem>> -> memref<128xi32, #tpu.memory_space<vmem>>
    %dma_start3A_49 = arith.constant 0 : i32
    %dma_start3A_50 = arith.constant 0 : i32
    %dma_start3A_51 = tpu.memref_slice %arg3[%dma_start3A_49, %dma_start3A_50] : memref<2000000x64xf32, #tpu.memory_space<hbm>> -> memref<2000000x64xf32, #tpu.memory_space<hbm>>
    tpu.enqueue_indirect_dma source(%dma_start3A_51 : memref<2000000x64xf32, #tpu.memory_space<hbm>>) target(%dma_start3A_45 : memref<128x64xf32, #tpu.memory_space<vmem>>) offsets(%dma_start3A_48 : memref<128xi32, #tpu.memory_space<vmem>>) semaphore(%arg10 : memref<!tpu.dma_semaphore, #tpu.memory_space<semaphore_mem>>)
    %dma_start3A_52 = arith.constant 4 : i32
    %dma_start3A_53 = arith.constant 4 : i32
    %dma_start3A_54 = arith.constant 0 : i32
    %dma_start3A_55 = arith.constant 0 : i32
    %dma_start3A_56 = tpu.memref_slice %arg6[%dma_start3A_53, %dma_start3A_54, %dma_start3A_55] : memref<5x128x64xf32, #tpu.memory_space<vmem>> -> memref<1x128x64xf32, #tpu.memory_space<vmem>>
    %dma_start3A_57 = tpu.memref_squeeze %dma_start3A_56 : memref<1x128x64xf32, #tpu.memory_space<vmem>> -> memref<128x64xf32, #tpu.memory_space<vmem>>
    %dma_start3A_58 = arith.constant 0 : i32
    %dma_start3A_59 = tpu.memref_slice %arg5[%dma_start3A_52, %dma_start3A_58] : memref<50x128xi32, #tpu.memory_space<vmem>> -> memref<1x128xi32, #tpu.memory_space<vmem>>
    %dma_start3A_60 = tpu.memref_squeeze %dma_start3A_59 : memref<1x128xi32, #tpu.memory_space<vmem>> -> memref<128xi32, #tpu.memory_space<vmem>>
    %dma_start3A_61 = arith.constant 0 : i32
    %dma_start3A_62 = arith.constant 0 : i32
    %dma_start3A_63 = tpu.memref_slice %arg3[%dma_start3A_61, %dma_start3A_62] : memref<2000000x64xf32, #tpu.memory_space<hbm>> -> memref<2000000x64xf32, #tpu.memory_space<hbm>>
    tpu.enqueue_indirect_dma source(%dma_start3A_63 : memref<2000000x64xf32, #tpu.memory_space<hbm>>) target(%dma_start3A_57 : memref<128x64xf32, #tpu.memory_space<vmem>>) offsets(%dma_start3A_60 : memref<128xi32, #tpu.memory_space<vmem>>) semaphore(%arg11 : memref<!tpu.dma_semaphore, #tpu.memory_space<semaphore_mem>>)
    %scan3A = arith.constant 0 : i32
    %scan3A_64 = arith.constant 0 : i32
    %scan3A_65 = arith.constant 9 : i32
    %scan3A_66 = arith.addi %scan3A_64, %scan3A_65 : i32
    %scan3A_67 = arith.constant 1 : i32
    scf.for %scan3A_288 = %scan3A_64 to %scan3A_66 step %scan3A_67  : i32 {
      %mul3A_289 = arith.constant 5 : i32
      %mul3A_290 = arith.muli %scan3A_288, %mul3A_289 : i32
      %add3A_291 = arith.constant 0 : i32
      %add3A_292 = arith.addi %mul3A_290, %add3A_291 : i32
      %dma_wait3A_293 = arith.constant 0 : i32
      %dma_wait3A_294 = arith.constant 0 : i32
      %dma_wait3A_295 = arith.constant 0 : i32
      %dma_wait3A_296 = tpu.memref_slice %arg6[%dma_wait3A_293, %dma_wait3A_294, %dma_wait3A_295] : memref<5x128x64xf32, #tpu.memory_space<vmem>> -> memref<1x128x64xf32, #tpu.memory_space<vmem>>
      %dma_wait3A_297 = tpu.memref_squeeze %dma_wait3A_296 : memref<1x128x64xf32, #tpu.memory_space<vmem>> -> memref<128x64xf32, #tpu.memory_space<vmem>>
      %dma_wait3A_298 = arith.constant 0 : i32
      %dma_wait3A_299 = tpu.memref_slice %arg5[%add3A_292, %dma_wait3A_298] : memref<50x128xi32, #tpu.memory_space<vmem>> -> memref<1x128xi32, #tpu.memory_space<vmem>>
      %dma_wait3A_300 = tpu.memref_squeeze %dma_wait3A_299 : memref<1x128xi32, #tpu.memory_space<vmem>> -> memref<128xi32, #tpu.memory_space<vmem>>
      %dma_wait3A_301 = arith.constant 0 : i32
      %dma_wait3A_302 = arith.constant 0 : i32
      %dma_wait3A_303 = tpu.memref_slice %arg3[%dma_wait3A_301, %dma_wait3A_302] : memref<2000000x64xf32, #tpu.memory_space<hbm>> -> memref<2000000x64xf32, #tpu.memory_space<hbm>>
      tpu.wait_indirect_dma semaphore(%arg7 : memref<!tpu.dma_semaphore, #tpu.memory_space<semaphore_mem>>) src(%dma_wait3A_303 : memref<2000000x64xf32, #tpu.memory_space<hbm>>) dst(%dma_wait3A_297 : memref<128x64xf32, #tpu.memory_space<vmem>>)
      %dma_start3A_304 = arith.constant 0 : i32
      %dma_start3A_305 = arith.constant 0 : i32
      %dma_start3A_306 = arith.constant 0 : i32
      %dma_start3A_307 = tpu.memref_slice %arg6[%dma_start3A_304, %dma_start3A_305, %dma_start3A_306] : memref<5x128x64xf32, #tpu.memory_space<vmem>> -> memref<1x128x64xf32, #tpu.memory_space<vmem>>
      %dma_start3A_308 = tpu.memref_squeeze %dma_start3A_307 : memref<1x128x64xf32, #tpu.memory_space<vmem>> -> memref<128x64xf32, #tpu.memory_space<vmem>>
      %dma_start3A_309 = arith.constant 0 : i32
      %dma_start3A_310 = tpu.memref_slice %arg4[%mul3A_2, %add3A_292, %dma_start3A_309] : memref<4096x50x64xf32, #tpu.memory_space<hbm>> -> memref<128x1x64xf32, #tpu.memory_space<hbm>>
      %dma_start3A_311 = tpu.memref_squeeze %dma_start3A_310 : memref<128x1x64xf32, #tpu.memory_space<hbm>> -> memref<128x64xf32, #tpu.memory_space<hbm>>
      %dma_start3A_312 = arith.constant 0 : i32
      %dma_start3A_313 = tpu.memref_slice %arg4[%mul3A_2, %add3A_292, %dma_start3A_312] : memref<4096x50x64xf32, #tpu.memory_space<hbm>> -> memref<128x1x64xf32, #tpu.memory_space<hbm>>
      %dma_start3A_314 = tpu.memref_squeeze %dma_start3A_313 : memref<128x1x64xf32, #tpu.memory_space<hbm>> -> memref<128x64xf32, #tpu.memory_space<hbm>>
      %dma_start3A_315 = arith.constant 0 : i32
      %dma_start3A_316 = arith.constant 0 : i32
      %dma_start3A_317 = tpu.memref_slice %arg6[%dma_start3A_304, %dma_start3A_315, %dma_start3A_316] : memref<5x128x64xf32, #tpu.memory_space<vmem>> -> memref<1x128x64xf32, #tpu.memory_space<vmem>>
      %dma_start3A_318 = tpu.memref_squeeze %dma_start3A_317 : memref<1x128x64xf32, #tpu.memory_space<vmem>> -> memref<128x64xf32, #tpu.memory_space<vmem>>
      tpu.enqueue_dma source(%dma_start3A_318 : memref<128x64xf32, #tpu.memory_space<vmem>>) target(%dma_start3A_314 : memref<128x64xf32, #tpu.memory_space<hbm>>) target_semaphore(%arg12 : memref<!tpu.dma_semaphore, #tpu.memory_space<semaphore_mem>>)
      %dma_wait3A_319 = arith.constant 0 : i32
      %dma_wait3A_320 = arith.constant 0 : i32
      %dma_wait3A_321 = arith.constant 0 : i32
      %dma_wait3A_322 = tpu.memref_slice %arg6[%dma_wait3A_319, %dma_wait3A_320, %dma_wait3A_321] : memref<5x128x64xf32, #tpu.memory_space<vmem>> -> memref<1x128x64xf32, #tpu.memory_space<vmem>>
      %dma_wait3A_323 = tpu.memref_squeeze %dma_wait3A_322 : memref<1x128x64xf32, #tpu.memory_space<vmem>> -> memref<128x64xf32, #tpu.memory_space<vmem>>
      %dma_wait3A_324 = arith.constant 0 : i32
      %dma_wait3A_325 = tpu.memref_slice %arg4[%mul3A_2, %add3A_292, %dma_wait3A_324] : memref<4096x50x64xf32, #tpu.memory_space<hbm>> -> memref<128x1x64xf32, #tpu.memory_space<hbm>>
      %dma_wait3A_326 = tpu.memref_squeeze %dma_wait3A_325 : memref<128x1x64xf32, #tpu.memory_space<hbm>> -> memref<128x64xf32, #tpu.memory_space<hbm>>
      %dma_wait3A_327 = arith.constant 0 : i32
      %dma_wait3A_328 = tpu.memref_slice %arg4[%mul3A_2, %add3A_292, %dma_wait3A_327] : memref<4096x50x64xf32, #tpu.memory_space<hbm>> -> memref<128x1x64xf32, #tpu.memory_space<hbm>>
      %dma_wait3A_329 = tpu.memref_squeeze %dma_wait3A_328 : memref<128x1x64xf32, #tpu.memory_space<hbm>> -> memref<128x64xf32, #tpu.memory_space<hbm>>
      %dma_wait3A_330 = arith.constant 0 : i32
      %dma_wait3A_331 = arith.constant 0 : i32
      %dma_wait3A_332 = tpu.memref_slice %arg6[%dma_wait3A_319, %dma_wait3A_330, %dma_wait3A_331] : memref<5x128x64xf32, #tpu.memory_space<vmem>> -> memref<1x128x64xf32, #tpu.memory_space<vmem>>
      %dma_wait3A_333 = tpu.memref_squeeze %dma_wait3A_332 : memref<1x128x64xf32, #tpu.memory_space<vmem>> -> memref<128x64xf32, #tpu.memory_space<vmem>>
      tpu.wait_dma2 semaphore(%arg12 : memref<!tpu.dma_semaphore, #tpu.memory_space<semaphore_mem>>) src(%dma_wait3A_333 : memref<128x64xf32, #tpu.memory_space<vmem>>) dst(%dma_wait3A_329 : memref<128x64xf32, #tpu.memory_space<hbm>>)
      %add3A_334 = arith.constant 5 : i32
      %add3A_335 = arith.addi %add3A_292, %add3A_334 : i32
      %dma_start3A_336 = arith.constant 0 : i32
      %dma_start3A_337 = arith.constant 0 : i32
      %dma_start3A_338 = arith.constant 0 : i32
      %dma_start3A_339 = tpu.memref_slice %arg6[%dma_start3A_336, %dma_start3A_337, %dma_start3A_338] : memref<5x128x64xf32, #tpu.memory_space<vmem>> -> memref<1x128x64xf32, #tpu.memory_space<vmem>>
      %dma_start3A_340 = tpu.memref_squeeze %dma_start3A_339 : memref<1x128x64xf32, #tpu.memory_space<vmem>> -> memref<128x64xf32, #tpu.memory_space<vmem>>
      %dma_start3A_341 = arith.constant 0 : i32
      %dma_start3A_342 = tpu.memref_slice %arg5[%add3A_335, %dma_start3A_341] : memref<50x128xi32, #tpu.memory_space<vmem>> -> memref<1x128xi32, #tpu.memory_space<vmem>>
      %dma_start3A_343 = tpu.memref_squeeze %dma_start3A_342 : memref<1x128xi32, #tpu.memory_space<vmem>> -> memref<128xi32, #tpu.memory_space<vmem>>
      %dma_start3A_344 = arith.constant 0 : i32
      %dma_start3A_345 = arith.constant 0 : i32
      %dma_start3A_346 = tpu.memref_slice %arg3[%dma_start3A_344, %dma_start3A_345] : memref<2000000x64xf32, #tpu.memory_space<hbm>> -> memref<2000000x64xf32, #tpu.memory_space<hbm>>
      tpu.enqueue_indirect_dma source(%dma_start3A_346 : memref<2000000x64xf32, #tpu.memory_space<hbm>>) target(%dma_start3A_340 : memref<128x64xf32, #tpu.memory_space<vmem>>) offsets(%dma_start3A_343 : memref<128xi32, #tpu.memory_space<vmem>>) semaphore(%arg7 : memref<!tpu.dma_semaphore, #tpu.memory_space<semaphore_mem>>)
      %mul3A_347 = arith.constant 5 : i32
      %mul3A_348 = arith.muli %scan3A_288, %mul3A_347 : i32
      %add3A_349 = arith.constant 1 : i32
      %add3A_350 = arith.addi %mul3A_348, %add3A_349 : i32
      %dma_wait3A_351 = arith.constant 1 : i32
      %dma_wait3A_352 = arith.constant 0 : i32
      %dma_wait3A_353 = arith.constant 0 : i32
      %dma_wait3A_354 = tpu.memref_slice %arg6[%dma_wait3A_351, %dma_wait3A_352, %dma_wait3A_353] : memref<5x128x64xf32, #tpu.memory_space<vmem>> -> memref<1x128x64xf32, #tpu.memory_space<vmem>>
      %dma_wait3A_355 = tpu.memref_squeeze %dma_wait3A_354 : memref<1x128x64xf32, #tpu.memory_space<vmem>> -> memref<128x64xf32, #tpu.memory_space<vmem>>
      %dma_wait3A_356 = arith.constant 0 : i32
      %dma_wait3A_357 = tpu.memref_slice %arg5[%add3A_350, %dma_wait3A_356] : memref<50x128xi32, #tpu.memory_space<vmem>> -> memref<1x128xi32, #tpu.memory_space<vmem>>
      %dma_wait3A_358 = tpu.memref_squeeze %dma_wait3A_357 : memref<1x128xi32, #tpu.memory_space<vmem>> -> memref<128xi32, #tpu.memory_space<vmem>>
      %dma_wait3A_359 = arith.constant 0 : i32
      %dma_wait3A_360 = arith.constant 0 : i32
      %dma_wait3A_361 = tpu.memref_slice %arg3[%dma_wait3A_359, %dma_wait3A_360] : memref<2000000x64xf32, #tpu.memory_space<hbm>> -> memref<2000000x64xf32, #tpu.memory_space<hbm>>
      tpu.wait_indirect_dma semaphore(%arg8 : memref<!tpu.dma_semaphore, #tpu.memory_space<semaphore_mem>>) src(%dma_wait3A_361 : memref<2000000x64xf32, #tpu.memory_space<hbm>>) dst(%dma_wait3A_355 : memref<128x64xf32, #tpu.memory_space<vmem>>)
      %dma_start3A_362 = arith.constant 1 : i32
      %dma_start3A_363 = arith.constant 0 : i32
      %dma_start3A_364 = arith.constant 0 : i32
      %dma_start3A_365 = tpu.memref_slice %arg6[%dma_start3A_362, %dma_start3A_363, %dma_start3A_364] : memref<5x128x64xf32, #tpu.memory_space<vmem>> -> memref<1x128x64xf32, #tpu.memory_space<vmem>>
      %dma_start3A_366 = tpu.memref_squeeze %dma_start3A_365 : memref<1x128x64xf32, #tpu.memory_space<vmem>> -> memref<128x64xf32, #tpu.memory_space<vmem>>
      %dma_start3A_367 = arith.constant 0 : i32
      %dma_start3A_368 = tpu.memref_slice %arg4[%mul3A_2, %add3A_350, %dma_start3A_367] : memref<4096x50x64xf32, #tpu.memory_space<hbm>> -> memref<128x1x64xf32, #tpu.memory_space<hbm>>
      %dma_start3A_369 = tpu.memref_squeeze %dma_start3A_368 : memref<128x1x64xf32, #tpu.memory_space<hbm>> -> memref<128x64xf32, #tpu.memory_space<hbm>>
      %dma_start3A_370 = arith.constant 0 : i32
      %dma_start3A_371 = tpu.memref_slice %arg4[%mul3A_2, %add3A_350, %dma_start3A_370] : memref<4096x50x64xf32, #tpu.memory_space<hbm>> -> memref<128x1x64xf32, #tpu.memory_space<hbm>>
      %dma_start3A_372 = tpu.memref_squeeze %dma_start3A_371 : memref<128x1x64xf32, #tpu.memory_space<hbm>> -> memref<128x64xf32, #tpu.memory_space<hbm>>
      %dma_start3A_373 = arith.constant 0 : i32
      %dma_start3A_374 = arith.constant 0 : i32
      %dma_start3A_375 = tpu.memref_slice %arg6[%dma_start3A_362, %dma_start3A_373, %dma_start3A_374] : memref<5x128x64xf32, #tpu.memory_space<vmem>> -> memref<1x128x64xf32, #tpu.memory_space<vmem>>
      %dma_start3A_376 = tpu.memref_squeeze %dma_start3A_375 : memref<1x128x64xf32, #tpu.memory_space<vmem>> -> memref<128x64xf32, #tpu.memory_space<vmem>>
      tpu.enqueue_dma source(%dma_start3A_376 : memref<128x64xf32, #tpu.memory_space<vmem>>) target(%dma_start3A_372 : memref<128x64xf32, #tpu.memory_space<hbm>>) target_semaphore(%arg13 : memref<!tpu.dma_semaphore, #tpu.memory_space<semaphore_mem>>)
      %dma_wait3A_377 = arith.constant 1 : i32
      %dma_wait3A_378 = arith.constant 0 : i32
      %dma_wait3A_379 = arith.constant 0 : i32
      %dma_wait3A_380 = tpu.memref_slice %arg6[%dma_wait3A_377, %dma_wait3A_378, %dma_wait3A_379] : memref<5x128x64xf32, #tpu.memory_space<vmem>> -> memref<1x128x64xf32, #tpu.memory_space<vmem>>
      %dma_wait3A_381 = tpu.memref_squeeze %dma_wait3A_380 : memref<1x128x64xf32, #tpu.memory_space<vmem>> -> memref<128x64xf32, #tpu.memory_space<vmem>>
      %dma_wait3A_382 = arith.constant 0 : i32
      %dma_wait3A_383 = tpu.memref_slice %arg4[%mul3A_2, %add3A_350, %dma_wait3A_382] : memref<4096x50x64xf32, #tpu.memory_space<hbm>> -> memref<128x1x64xf32, #tpu.memory_space<hbm>>
      %dma_wait3A_384 = tpu.memref_squeeze %dma_wait3A_383 : memref<128x1x64xf32, #tpu.memory_space<hbm>> -> memref<128x64xf32, #tpu.memory_space<hbm>>
      %dma_wait3A_385 = arith.constant 0 : i32
      %dma_wait3A_386 = tpu.memref_slice %arg4[%mul3A_2, %add3A_350, %dma_wait3A_385] : memref<4096x50x64xf32, #tpu.memory_space<hbm>> -> memref<128x1x64xf32, #tpu.memory_space<hbm>>
      %dma_wait3A_387 = tpu.memref_squeeze %dma_wait3A_386 : memref<128x1x64xf32, #tpu.memory_space<hbm>> -> memref<128x64xf32, #tpu.memory_space<hbm>>
      %dma_wait3A_388 = arith.constant 0 : i32
      %dma_wait3A_389 = arith.constant 0 : i32
      %dma_wait3A_390 = tpu.memref_slice %arg6[%dma_wait3A_377, %dma_wait3A_388, %dma_wait3A_389] : memref<5x128x64xf32, #tpu.memory_space<vmem>> -> memref<1x128x64xf32, #tpu.memory_space<vmem>>
      %dma_wait3A_391 = tpu.memref_squeeze %dma_wait3A_390 : memref<1x128x64xf32, #tpu.memory_space<vmem>> -> memref<128x64xf32, #tpu.memory_space<vmem>>
      tpu.wait_dma2 semaphore(%arg13 : memref<!tpu.dma_semaphore, #tpu.memory_space<semaphore_mem>>) src(%dma_wait3A_391 : memref<128x64xf32, #tpu.memory_space<vmem>>) dst(%dma_wait3A_387 : memref<128x64xf32, #tpu.memory_space<hbm>>)
      %add3A_392 = arith.constant 5 : i32
      %add3A_393 = arith.addi %add3A_350, %add3A_392 : i32
      %dma_start3A_394 = arith.constant 1 : i32
      %dma_start3A_395 = arith.constant 0 : i32
      %dma_start3A_396 = arith.constant 0 : i32
      %dma_start3A_397 = tpu.memref_slice %arg6[%dma_start3A_394, %dma_start3A_395, %dma_start3A_396] : memref<5x128x64xf32, #tpu.memory_space<vmem>> -> memref<1x128x64xf32, #tpu.memory_space<vmem>>
      %dma_start3A_398 = tpu.memref_squeeze %dma_start3A_397 : memref<1x128x64xf32, #tpu.memory_space<vmem>> -> memref<128x64xf32, #tpu.memory_space<vmem>>
      %dma_start3A_399 = arith.constant 0 : i32
      %dma_start3A_400 = tpu.memref_slice %arg5[%add3A_393, %dma_start3A_399] : memref<50x128xi32, #tpu.memory_space<vmem>> -> memref<1x128xi32, #tpu.memory_space<vmem>>
      %dma_start3A_401 = tpu.memref_squeeze %dma_start3A_400 : memref<1x128xi32, #tpu.memory_space<vmem>> -> memref<128xi32, #tpu.memory_space<vmem>>
      %dma_start3A_402 = arith.constant 0 : i32
      %dma_start3A_403 = arith.constant 0 : i32
      %dma_start3A_404 = tpu.memref_slice %arg3[%dma_start3A_402, %dma_start3A_403] : memref<2000000x64xf32, #tpu.memory_space<hbm>> -> memref<2000000x64xf32, #tpu.memory_space<hbm>>
      tpu.enqueue_indirect_dma source(%dma_start3A_404 : memref<2000000x64xf32, #tpu.memory_space<hbm>>) target(%dma_start3A_398 : memref<128x64xf32, #tpu.memory_space<vmem>>) offsets(%dma_start3A_401 : memref<128xi32, #tpu.memory_space<vmem>>) semaphore(%arg8 : memref<!tpu.dma_semaphore, #tpu.memory_space<semaphore_mem>>)
      %mul3A_405 = arith.constant 5 : i32
      %mul3A_406 = arith.muli %scan3A_288, %mul3A_405 : i32
      %add3A_407 = arith.constant 2 : i32
      %add3A_408 = arith.addi %mul3A_406, %add3A_407 : i32
      %dma_wait3A_409 = arith.constant 2 : i32
      %dma_wait3A_410 = arith.constant 0 : i32
      %dma_wait3A_411 = arith.constant 0 : i32
      %dma_wait3A_412 = tpu.memref_slice %arg6[%dma_wait3A_409, %dma_wait3A_410, %dma_wait3A_411] : memref<5x128x64xf32, #tpu.memory_space<vmem>> -> memref<1x128x64xf32, #tpu.memory_space<vmem>>
      %dma_wait3A_413 = tpu.memref_squeeze %dma_wait3A_412 : memref<1x128x64xf32, #tpu.memory_space<vmem>> -> memref<128x64xf32, #tpu.memory_space<vmem>>
      %dma_wait3A_414 = arith.constant 0 : i32
      %dma_wait3A_415 = tpu.memref_slice %arg5[%add3A_408, %dma_wait3A_414] : memref<50x128xi32, #tpu.memory_space<vmem>> -> memref<1x128xi32, #tpu.memory_space<vmem>>
      %dma_wait3A_416 = tpu.memref_squeeze %dma_wait3A_415 : memref<1x128xi32, #tpu.memory_space<vmem>> -> memref<128xi32, #tpu.memory_space<vmem>>
      %dma_wait3A_417 = arith.constant 0 : i32
      %dma_wait3A_418 = arith.constant 0 : i32
      %dma_wait3A_419 = tpu.memref_slice %arg3[%dma_wait3A_417, %dma_wait3A_418] : memref<2000000x64xf32, #tpu.memory_space<hbm>> -> memref<2000000x64xf32, #tpu.memory_space<hbm>>
      tpu.wait_indirect_dma semaphore(%arg9 : memref<!tpu.dma_semaphore, #tpu.memory_space<semaphore_mem>>) src(%dma_wait3A_419 : memref<2000000x64xf32, #tpu.memory_space<hbm>>) dst(%dma_wait3A_413 : memref<128x64xf32, #tpu.memory_space<vmem>>)
      %dma_start3A_420 = arith.constant 2 : i32
      %dma_start3A_421 = arith.constant 0 : i32
      %dma_start3A_422 = arith.constant 0 : i32
      %dma_start3A_423 = tpu.memref_slice %arg6[%dma_start3A_420, %dma_start3A_421, %dma_start3A_422] : memref<5x128x64xf32, #tpu.memory_space<vmem>> -> memref<1x128x64xf32, #tpu.memory_space<vmem>>
      %dma_start3A_424 = tpu.memref_squeeze %dma_start3A_423 : memref<1x128x64xf32, #tpu.memory_space<vmem>> -> memref<128x64xf32, #tpu.memory_space<vmem>>
      %dma_start3A_425 = arith.constant 0 : i32
      %dma_start3A_426 = tpu.memref_slice %arg4[%mul3A_2, %add3A_408, %dma_start3A_425] : memref<4096x50x64xf32, #tpu.memory_space<hbm>> -> memref<128x1x64xf32, #tpu.memory_space<hbm>>
      %dma_start3A_427 = tpu.memref_squeeze %dma_start3A_426 : memref<128x1x64xf32, #tpu.memory_space<hbm>> -> memref<128x64xf32, #tpu.memory_space<hbm>>
      %dma_start3A_428 = arith.constant 0 : i32
      %dma_start3A_429 = tpu.memref_slice %arg4[%mul3A_2, %add3A_408, %dma_start3A_428] : memref<4096x50x64xf32, #tpu.memory_space<hbm>> -> memref<128x1x64xf32, #tpu.memory_space<hbm>>
      %dma_start3A_430 = tpu.memref_squeeze %dma_start3A_429 : memref<128x1x64xf32, #tpu.memory_space<hbm>> -> memref<128x64xf32, #tpu.memory_space<hbm>>
      %dma_start3A_431 = arith.constant 0 : i32
      %dma_start3A_432 = arith.constant 0 : i32
      %dma_start3A_433 = tpu.memref_slice %arg6[%dma_start3A_420, %dma_start3A_431, %dma_start3A_432] : memref<5x128x64xf32, #tpu.memory_space<vmem>> -> memref<1x128x64xf32, #tpu.memory_space<vmem>>
      %dma_start3A_434 = tpu.memref_squeeze %dma_start3A_433 : memref<1x128x64xf32, #tpu.memory_space<vmem>> -> memref<128x64xf32, #tpu.memory_space<vmem>>
      tpu.enqueue_dma source(%dma_start3A_434 : memref<128x64xf32, #tpu.memory_space<vmem>>) target(%dma_start3A_430 : memref<128x64xf32, #tpu.memory_space<hbm>>) target_semaphore(%arg14 : memref<!tpu.dma_semaphore, #tpu.memory_space<semaphore_mem>>)
      %dma_wait3A_435 = arith.constant 2 : i32
      %dma_wait3A_436 = arith.constant 0 : i32
      %dma_wait3A_437 = arith.constant 0 : i32
      %dma_wait3A_438 = tpu.memref_slice %arg6[%dma_wait3A_435, %dma_wait3A_436, %dma_wait3A_437] : memref<5x128x64xf32, #tpu.memory_space<vmem>> -> memref<1x128x64xf32, #tpu.memory_space<vmem>>
      %dma_wait3A_439 = tpu.memref_squeeze %dma_wait3A_438 : memref<1x128x64xf32, #tpu.memory_space<vmem>> -> memref<128x64xf32, #tpu.memory_space<vmem>>
      %dma_wait3A_440 = arith.constant 0 : i32
      %dma_wait3A_441 = tpu.memref_slice %arg4[%mul3A_2, %add3A_408, %dma_wait3A_440] : memref<4096x50x64xf32, #tpu.memory_space<hbm>> -> memref<128x1x64xf32, #tpu.memory_space<hbm>>
      %dma_wait3A_442 = tpu.memref_squeeze %dma_wait3A_441 : memref<128x1x64xf32, #tpu.memory_space<hbm>> -> memref<128x64xf32, #tpu.memory_space<hbm>>
      %dma_wait3A_443 = arith.constant 0 : i32
      %dma_wait3A_444 = tpu.memref_slice %arg4[%mul3A_2, %add3A_408, %dma_wait3A_443] : memref<4096x50x64xf32, #tpu.memory_space<hbm>> -> memref<128x1x64xf32, #tpu.memory_space<hbm>>
      %dma_wait3A_445 = tpu.memref_squeeze %dma_wait3A_444 : memref<128x1x64xf32, #tpu.memory_space<hbm>> -> memref<128x64xf32, #tpu.memory_space<hbm>>
      %dma_wait3A_446 = arith.constant 0 : i32
      %dma_wait3A_447 = arith.constant 0 : i32
      %dma_wait3A_448 = tpu.memref_slice %arg6[%dma_wait3A_435, %dma_wait3A_446, %dma_wait3A_447] : memref<5x128x64xf32, #tpu.memory_space<vmem>> -> memref<1x128x64xf32, #tpu.memory_space<vmem>>
      %dma_wait3A_449 = tpu.memref_squeeze %dma_wait3A_448 : memref<1x128x64xf32, #tpu.memory_space<vmem>> -> memref<128x64xf32, #tpu.memory_space<vmem>>
      tpu.wait_dma2 semaphore(%arg14 : memref<!tpu.dma_semaphore, #tpu.memory_space<semaphore_mem>>) src(%dma_wait3A_449 : memref<128x64xf32, #tpu.memory_space<vmem>>) dst(%dma_wait3A_445 : memref<128x64xf32, #tpu.memory_space<hbm>>)
      %add3A_450 = arith.constant 5 : i32
      %add3A_451 = arith.addi %add3A_408, %add3A_450 : i32
      %dma_start3A_452 = arith.constant 2 : i32
      %dma_start3A_453 = arith.constant 0 : i32
      %dma_start3A_454 = arith.constant 0 : i32
      %dma_start3A_455 = tpu.memref_slice %arg6[%dma_start3A_452, %dma_start3A_453, %dma_start3A_454] : memref<5x128x64xf32, #tpu.memory_space<vmem>> -> memref<1x128x64xf32, #tpu.memory_space<vmem>>
      %dma_start3A_456 = tpu.memref_squeeze %dma_start3A_455 : memref<1x128x64xf32, #tpu.memory_space<vmem>> -> memref<128x64xf32, #tpu.memory_space<vmem>>
      %dma_start3A_457 = arith.constant 0 : i32
      %dma_start3A_458 = tpu.memref_slice %arg5[%add3A_451, %dma_start3A_457] : memref<50x128xi32, #tpu.memory_space<vmem>> -> memref<1x128xi32, #tpu.memory_space<vmem>>
      %dma_start3A_459 = tpu.memref_squeeze %dma_start3A_458 : memref<1x128xi32, #tpu.memory_space<vmem>> -> memref<128xi32, #tpu.memory_space<vmem>>
      %dma_start3A_460 = arith.constant 0 : i32
      %dma_start3A_461 = arith.constant 0 : i32
      %dma_start3A_462 = tpu.memref_slice %arg3[%dma_start3A_460, %dma_start3A_461] : memref<2000000x64xf32, #tpu.memory_space<hbm>> -> memref<2000000x64xf32, #tpu.memory_space<hbm>>
      tpu.enqueue_indirect_dma source(%dma_start3A_462 : memref<2000000x64xf32, #tpu.memory_space<hbm>>) target(%dma_start3A_456 : memref<128x64xf32, #tpu.memory_space<vmem>>) offsets(%dma_start3A_459 : memref<128xi32, #tpu.memory_space<vmem>>) semaphore(%arg9 : memref<!tpu.dma_semaphore, #tpu.memory_space<semaphore_mem>>)
      %mul3A_463 = arith.constant 5 : i32
      %mul3A_464 = arith.muli %scan3A_288, %mul3A_463 : i32
      %add3A_465 = arith.constant 3 : i32
      %add3A_466 = arith.addi %mul3A_464, %add3A_465 : i32
      %dma_wait3A_467 = arith.constant 3 : i32
      %dma_wait3A_468 = arith.constant 0 : i32
      %dma_wait3A_469 = arith.constant 0 : i32
      %dma_wait3A_470 = tpu.memref_slice %arg6[%dma_wait3A_467, %dma_wait3A_468, %dma_wait3A_469] : memref<5x128x64xf32, #tpu.memory_space<vmem>> -> memref<1x128x64xf32, #tpu.memory_space<vmem>>
      %dma_wait3A_471 = tpu.memref_squeeze %dma_wait3A_470 : memref<1x128x64xf32, #tpu.memory_space<vmem>> -> memref<128x64xf32, #tpu.memory_space<vmem>>
      %dma_wait3A_472 = arith.constant 0 : i32
      %dma_wait3A_473 = tpu.memref_slice %arg5[%add3A_466, %dma_wait3A_472] : memref<50x128xi32, #tpu.memory_space<vmem>> -> memref<1x128xi32, #tpu.memory_space<vmem>>
      %dma_wait3A_474 = tpu.memref_squeeze %dma_wait3A_473 : memref<1x128xi32, #tpu.memory_space<vmem>> -> memref<128xi32, #tpu.memory_space<vmem>>
      %dma_wait3A_475 = arith.constant 0 : i32
      %dma_wait3A_476 = arith.constant 0 : i32
      %dma_wait3A_477 = tpu.memref_slice %arg3[%dma_wait3A_475, %dma_wait3A_476] : memref<2000000x64xf32, #tpu.memory_space<hbm>> -> memref<2000000x64xf32, #tpu.memory_space<hbm>>
      tpu.wait_indirect_dma semaphore(%arg10 : memref<!tpu.dma_semaphore, #tpu.memory_space<semaphore_mem>>) src(%dma_wait3A_477 : memref<2000000x64xf32, #tpu.memory_space<hbm>>) dst(%dma_wait3A_471 : memref<128x64xf32, #tpu.memory_space<vmem>>)
      %dma_start3A_478 = arith.constant 3 : i32
      %dma_start3A_479 = arith.constant 0 : i32
      %dma_start3A_480 = arith.constant 0 : i32
      %dma_start3A_481 = tpu.memref_slice %arg6[%dma_start3A_478, %dma_start3A_479, %dma_start3A_480] : memref<5x128x64xf32, #tpu.memory_space<vmem>> -> memref<1x128x64xf32, #tpu.memory_space<vmem>>
      %dma_start3A_482 = tpu.memref_squeeze %dma_start3A_481 : memref<1x128x64xf32, #tpu.memory_space<vmem>> -> memref<128x64xf32, #tpu.memory_space<vmem>>
      %dma_start3A_483 = arith.constant 0 : i32
      %dma_start3A_484 = tpu.memref_slice %arg4[%mul3A_2, %add3A_466, %dma_start3A_483] : memref<4096x50x64xf32, #tpu.memory_space<hbm>> -> memref<128x1x64xf32, #tpu.memory_space<hbm>>
      %dma_start3A_485 = tpu.memref_squeeze %dma_start3A_484 : memref<128x1x64xf32, #tpu.memory_space<hbm>> -> memref<128x64xf32, #tpu.memory_space<hbm>>
      %dma_start3A_486 = arith.constant 0 : i32
      %dma_start3A_487 = tpu.memref_slice %arg4[%mul3A_2, %add3A_466, %dma_start3A_486] : memref<4096x50x64xf32, #tpu.memory_space<hbm>> -> memref<128x1x64xf32, #tpu.memory_space<hbm>>
      %dma_start3A_488 = tpu.memref_squeeze %dma_start3A_487 : memref<128x1x64xf32, #tpu.memory_space<hbm>> -> memref<128x64xf32, #tpu.memory_space<hbm>>
      %dma_start3A_489 = arith.constant 0 : i32
      %dma_start3A_490 = arith.constant 0 : i32
      %dma_start3A_491 = tpu.memref_slice %arg6[%dma_start3A_478, %dma_start3A_489, %dma_start3A_490] : memref<5x128x64xf32, #tpu.memory_space<vmem>> -> memref<1x128x64xf32, #tpu.memory_space<vmem>>
      %dma_start3A_492 = tpu.memref_squeeze %dma_start3A_491 : memref<1x128x64xf32, #tpu.memory_space<vmem>> -> memref<128x64xf32, #tpu.memory_space<vmem>>
      tpu.enqueue_dma source(%dma_start3A_492 : memref<128x64xf32, #tpu.memory_space<vmem>>) target(%dma_start3A_488 : memref<128x64xf32, #tpu.memory_space<hbm>>) target_semaphore(%arg15 : memref<!tpu.dma_semaphore, #tpu.memory_space<semaphore_mem>>)
      %dma_wait3A_493 = arith.constant 3 : i32
      %dma_wait3A_494 = arith.constant 0 : i32
      %dma_wait3A_495 = arith.constant 0 : i32
      %dma_wait3A_496 = tpu.memref_slice %arg6[%dma_wait3A_493, %dma_wait3A_494, %dma_wait3A_495] : memref<5x128x64xf32, #tpu.memory_space<vmem>> -> memref<1x128x64xf32, #tpu.memory_space<vmem>>
      %dma_wait3A_497 = tpu.memref_squeeze %dma_wait3A_496 : memref<1x128x64xf32, #tpu.memory_space<vmem>> -> memref<128x64xf32, #tpu.memory_space<vmem>>
      %dma_wait3A_498 = arith.constant 0 : i32
      %dma_wait3A_499 = tpu.memref_slice %arg4[%mul3A_2, %add3A_466, %dma_wait3A_498] : memref<4096x50x64xf32, #tpu.memory_space<hbm>> -> memref<128x1x64xf32, #tpu.memory_space<hbm>>
      %dma_wait3A_500 = tpu.memref_squeeze %dma_wait3A_499 : memref<128x1x64xf32, #tpu.memory_space<hbm>> -> memref<128x64xf32, #tpu.memory_space<hbm>>
      %dma_wait3A_501 = arith.constant 0 : i32
      %dma_wait3A_502 = tpu.memref_slice %arg4[%mul3A_2, %add3A_466, %dma_wait3A_501] : memref<4096x50x64xf32, #tpu.memory_space<hbm>> -> memref<128x1x64xf32, #tpu.memory_space<hbm>>
      %dma_wait3A_503 = tpu.memref_squeeze %dma_wait3A_502 : memref<128x1x64xf32, #tpu.memory_space<hbm>> -> memref<128x64xf32, #tpu.memory_space<hbm>>
      %dma_wait3A_504 = arith.constant 0 : i32
      %dma_wait3A_505 = arith.constant 0 : i32
      %dma_wait3A_506 = tpu.memref_slice %arg6[%dma_wait3A_493, %dma_wait3A_504, %dma_wait3A_505] : memref<5x128x64xf32, #tpu.memory_space<vmem>> -> memref<1x128x64xf32, #tpu.memory_space<vmem>>
      %dma_wait3A_507 = tpu.memref_squeeze %dma_wait3A_506 : memref<1x128x64xf32, #tpu.memory_space<vmem>> -> memref<128x64xf32, #tpu.memory_space<vmem>>
      tpu.wait_dma2 semaphore(%arg15 : memref<!tpu.dma_semaphore, #tpu.memory_space<semaphore_mem>>) src(%dma_wait3A_507 : memref<128x64xf32, #tpu.memory_space<vmem>>) dst(%dma_wait3A_503 : memref<128x64xf32, #tpu.memory_space<hbm>>)
      %add3A_508 = arith.constant 5 : i32
      %add3A_509 = arith.addi %add3A_466, %add3A_508 : i32
      %dma_start3A_510 = arith.constant 3 : i32
      %dma_start3A_511 = arith.constant 0 : i32
      %dma_start3A_512 = arith.constant 0 : i32
      %dma_start3A_513 = tpu.memref_slice %arg6[%dma_start3A_510, %dma_start3A_511, %dma_start3A_512] : memref<5x128x64xf32, #tpu.memory_space<vmem>> -> memref<1x128x64xf32, #tpu.memory_space<vmem>>
      %dma_start3A_514 = tpu.memref_squeeze %dma_start3A_513 : memref<1x128x64xf32, #tpu.memory_space<vmem>> -> memref<128x64xf32, #tpu.memory_space<vmem>>
      %dma_start3A_515 = arith.constant 0 : i32
      %dma_start3A_516 = tpu.memref_slice %arg5[%add3A_509, %dma_start3A_515] : memref<50x128xi32, #tpu.memory_space<vmem>> -> memref<1x128xi32, #tpu.memory_space<vmem>>
      %dma_start3A_517 = tpu.memref_squeeze %dma_start3A_516 : memref<1x128xi32, #tpu.memory_space<vmem>> -> memref<128xi32, #tpu.memory_space<vmem>>
      %dma_start3A_518 = arith.constant 0 : i32
      %dma_start3A_519 = arith.constant 0 : i32
      %dma_start3A_520 = tpu.memref_slice %arg3[%dma_start3A_518, %dma_start3A_519] : memref<2000000x64xf32, #tpu.memory_space<hbm>> -> memref<2000000x64xf32, #tpu.memory_space<hbm>>
      tpu.enqueue_indirect_dma source(%dma_start3A_520 : memref<2000000x64xf32, #tpu.memory_space<hbm>>) target(%dma_start3A_514 : memref<128x64xf32, #tpu.memory_space<vmem>>) offsets(%dma_start3A_517 : memref<128xi32, #tpu.memory_space<vmem>>) semaphore(%arg10 : memref<!tpu.dma_semaphore, #tpu.memory_space<semaphore_mem>>)
      %mul3A_521 = arith.constant 5 : i32
      %mul3A_522 = arith.muli %scan3A_288, %mul3A_521 : i32
      %add3A_523 = arith.constant 4 : i32
      %add3A_524 = arith.addi %mul3A_522, %add3A_523 : i32
      %dma_wait3A_525 = arith.constant 4 : i32
      %dma_wait3A_526 = arith.constant 0 : i32
      %dma_wait3A_527 = arith.constant 0 : i32
      %dma_wait3A_528 = tpu.memref_slice %arg6[%dma_wait3A_525, %dma_wait3A_526, %dma_wait3A_527] : memref<5x128x64xf32, #tpu.memory_space<vmem>> -> memref<1x128x64xf32, #tpu.memory_space<vmem>>
      %dma_wait3A_529 = tpu.memref_squeeze %dma_wait3A_528 : memref<1x128x64xf32, #tpu.memory_space<vmem>> -> memref<128x64xf32, #tpu.memory_space<vmem>>
      %dma_wait3A_530 = arith.constant 0 : i32
      %dma_wait3A_531 = tpu.memref_slice %arg5[%add3A_524, %dma_wait3A_530] : memref<50x128xi32, #tpu.memory_space<vmem>> -> memref<1x128xi32, #tpu.memory_space<vmem>>
      %dma_wait3A_532 = tpu.memref_squeeze %dma_wait3A_531 : memref<1x128xi32, #tpu.memory_space<vmem>> -> memref<128xi32, #tpu.memory_space<vmem>>
      %dma_wait3A_533 = arith.constant 0 : i32
      %dma_wait3A_534 = arith.constant 0 : i32
      %dma_wait3A_535 = tpu.memref_slice %arg3[%dma_wait3A_533, %dma_wait3A_534] : memref<2000000x64xf32, #tpu.memory_space<hbm>> -> memref<2000000x64xf32, #tpu.memory_space<hbm>>
      tpu.wait_indirect_dma semaphore(%arg11 : memref<!tpu.dma_semaphore, #tpu.memory_space<semaphore_mem>>) src(%dma_wait3A_535 : memref<2000000x64xf32, #tpu.memory_space<hbm>>) dst(%dma_wait3A_529 : memref<128x64xf32, #tpu.memory_space<vmem>>)
      %dma_start3A_536 = arith.constant 4 : i32
      %dma_start3A_537 = arith.constant 0 : i32
      %dma_start3A_538 = arith.constant 0 : i32
      %dma_start3A_539 = tpu.memref_slice %arg6[%dma_start3A_536, %dma_start3A_537, %dma_start3A_538] : memref<5x128x64xf32, #tpu.memory_space<vmem>> -> memref<1x128x64xf32, #tpu.memory_space<vmem>>
      %dma_start3A_540 = tpu.memref_squeeze %dma_start3A_539 : memref<1x128x64xf32, #tpu.memory_space<vmem>> -> memref<128x64xf32, #tpu.memory_space<vmem>>
      %dma_start3A_541 = arith.constant 0 : i32
      %dma_start3A_542 = tpu.memref_slice %arg4[%mul3A_2, %add3A_524, %dma_start3A_541] : memref<4096x50x64xf32, #tpu.memory_space<hbm>> -> memref<128x1x64xf32, #tpu.memory_space<hbm>>
      %dma_start3A_543 = tpu.memref_squeeze %dma_start3A_542 : memref<128x1x64xf32, #tpu.memory_space<hbm>> -> memref<128x64xf32, #tpu.memory_space<hbm>>
      %dma_start3A_544 = arith.constant 0 : i32
      %dma_start3A_545 = tpu.memref_slice %arg4[%mul3A_2, %add3A_524, %dma_start3A_544] : memref<4096x50x64xf32, #tpu.memory_space<hbm>> -> memref<128x1x64xf32, #tpu.memory_space<hbm>>
      %dma_start3A_546 = tpu.memref_squeeze %dma_start3A_545 : memref<128x1x64xf32, #tpu.memory_space<hbm>> -> memref<128x64xf32, #tpu.memory_space<hbm>>
      %dma_start3A_547 = arith.constant 0 : i32
      %dma_start3A_548 = arith.constant 0 : i32
      %dma_start3A_549 = tpu.memref_slice %arg6[%dma_start3A_536, %dma_start3A_547, %dma_start3A_548] : memref<5x128x64xf32, #tpu.memory_space<vmem>> -> memref<1x128x64xf32, #tpu.memory_space<vmem>>
      %dma_start3A_550 = tpu.memref_squeeze %dma_start3A_549 : memref<1x128x64xf32, #tpu.memory_space<vmem>> -> memref<128x64xf32, #tpu.memory_space<vmem>>
      tpu.enqueue_dma source(%dma_start3A_550 : memref<128x64xf32, #tpu.memory_space<vmem>>) target(%dma_start3A_546 : memref<128x64xf32, #tpu.memory_space<hbm>>) target_semaphore(%arg16 : memref<!tpu.dma_semaphore, #tpu.memory_space<semaphore_mem>>)
      %dma_wait3A_551 = arith.constant 4 : i32
      %dma_wait3A_552 = arith.constant 0 : i32
      %dma_wait3A_553 = arith.constant 0 : i32
      %dma_wait3A_554 = tpu.memref_slice %arg6[%dma_wait3A_551, %dma_wait3A_552, %dma_wait3A_553] : memref<5x128x64xf32, #tpu.memory_space<vmem>> -> memref<1x128x64xf32, #tpu.memory_space<vmem>>
      %dma_wait3A_555 = tpu.memref_squeeze %dma_wait3A_554 : memref<1x128x64xf32, #tpu.memory_space<vmem>> -> memref<128x64xf32, #tpu.memory_space<vmem>>
      %dma_wait3A_556 = arith.constant 0 : i32
      %dma_wait3A_557 = tpu.memref_slice %arg4[%mul3A_2, %add3A_524, %dma_wait3A_556] : memref<4096x50x64xf32, #tpu.memory_space<hbm>> -> memref<128x1x64xf32, #tpu.memory_space<hbm>>
      %dma_wait3A_558 = tpu.memref_squeeze %dma_wait3A_557 : memref<128x1x64xf32, #tpu.memory_space<hbm>> -> memref<128x64xf32, #tpu.memory_space<hbm>>
      %dma_wait3A_559 = arith.constant 0 : i32
      %dma_wait3A_560 = tpu.memref_slice %arg4[%mul3A_2, %add3A_524, %dma_wait3A_559] : memref<4096x50x64xf32, #tpu.memory_space<hbm>> -> memref<128x1x64xf32, #tpu.memory_space<hbm>>
      %dma_wait3A_561 = tpu.memref_squeeze %dma_wait3A_560 : memref<128x1x64xf32, #tpu.memory_space<hbm>> -> memref<128x64xf32, #tpu.memory_space<hbm>>
      %dma_wait3A_562 = arith.constant 0 : i32
      %dma_wait3A_563 = arith.constant 0 : i32
      %dma_wait3A_564 = tpu.memref_slice %arg6[%dma_wait3A_551, %dma_wait3A_562, %dma_wait3A_563] : memref<5x128x64xf32, #tpu.memory_space<vmem>> -> memref<1x128x64xf32, #tpu.memory_space<vmem>>
      %dma_wait3A_565 = tpu.memref_squeeze %dma_wait3A_564 : memref<1x128x64xf32, #tpu.memory_space<vmem>> -> memref<128x64xf32, #tpu.memory_space<vmem>>
      tpu.wait_dma2 semaphore(%arg16 : memref<!tpu.dma_semaphore, #tpu.memory_space<semaphore_mem>>) src(%dma_wait3A_565 : memref<128x64xf32, #tpu.memory_space<vmem>>) dst(%dma_wait3A_561 : memref<128x64xf32, #tpu.memory_space<hbm>>)
      %add3A_566 = arith.constant 5 : i32
      %add3A_567 = arith.addi %add3A_524, %add3A_566 : i32
      %dma_start3A_568 = arith.constant 4 : i32
      %dma_start3A_569 = arith.constant 0 : i32
      %dma_start3A_570 = arith.constant 0 : i32
      %dma_start3A_571 = tpu.memref_slice %arg6[%dma_start3A_568, %dma_start3A_569, %dma_start3A_570] : memref<5x128x64xf32, #tpu.memory_space<vmem>> -> memref<1x128x64xf32, #tpu.memory_space<vmem>>
      %dma_start3A_572 = tpu.memref_squeeze %dma_start3A_571 : memref<1x128x64xf32, #tpu.memory_space<vmem>> -> memref<128x64xf32, #tpu.memory_space<vmem>>
      %dma_start3A_573 = arith.constant 0 : i32
      %dma_start3A_574 = tpu.memref_slice %arg5[%add3A_567, %dma_start3A_573] : memref<50x128xi32, #tpu.memory_space<vmem>> -> memref<1x128xi32, #tpu.memory_space<vmem>>
      %dma_start3A_575 = tpu.memref_squeeze %dma_start3A_574 : memref<1x128xi32, #tpu.memory_space<vmem>> -> memref<128xi32, #tpu.memory_space<vmem>>
      %dma_start3A_576 = arith.constant 0 : i32
      %dma_start3A_577 = arith.constant 0 : i32
      %dma_start3A_578 = tpu.memref_slice %arg3[%dma_start3A_576, %dma_start3A_577] : memref<2000000x64xf32, #tpu.memory_space<hbm>> -> memref<2000000x64xf32, #tpu.memory_space<hbm>>
      tpu.enqueue_indirect_dma source(%dma_start3A_578 : memref<2000000x64xf32, #tpu.memory_space<hbm>>) target(%dma_start3A_572 : memref<128x64xf32, #tpu.memory_space<vmem>>) offsets(%dma_start3A_575 : memref<128xi32, #tpu.memory_space<vmem>>) semaphore(%arg11 : memref<!tpu.dma_semaphore, #tpu.memory_space<semaphore_mem>>)
    }
    %scan3A_68 = arith.constant 9 : i32
    %dma_wait3A = arith.constant 45 : i32
    %dma_wait3A_69 = arith.constant 0 : i32
    %dma_wait3A_70 = arith.constant 0 : i32
    %dma_wait3A_71 = arith.constant 0 : i32
    %dma_wait3A_72 = tpu.memref_slice %arg6[%dma_wait3A_69, %dma_wait3A_70, %dma_wait3A_71] : memref<5x128x64xf32, #tpu.memory_space<vmem>> -> memref<1x128x64xf32, #tpu.memory_space<vmem>>
    %dma_wait3A_73 = tpu.memref_squeeze %dma_wait3A_72 : memref<1x128x64xf32, #tpu.memory_space<vmem>> -> memref<128x64xf32, #tpu.memory_space<vmem>>
    %dma_wait3A_74 = arith.constant 0 : i32
    %dma_wait3A_75 = tpu.memref_slice %arg5[%dma_wait3A, %dma_wait3A_74] : memref<50x128xi32, #tpu.memory_space<vmem>> -> memref<1x128xi32, #tpu.memory_space<vmem>>
    %dma_wait3A_76 = tpu.memref_squeeze %dma_wait3A_75 : memref<1x128xi32, #tpu.memory_space<vmem>> -> memref<128xi32, #tpu.memory_space<vmem>>
    %dma_wait3A_77 = arith.constant 0 : i32
    %dma_wait3A_78 = arith.constant 0 : i32
    %dma_wait3A_79 = tpu.memref_slice %arg3[%dma_wait3A_77, %dma_wait3A_78] : memref<2000000x64xf32, #tpu.memory_space<hbm>> -> memref<2000000x64xf32, #tpu.memory_space<hbm>>
    tpu.wait_indirect_dma semaphore(%arg7 : memref<!tpu.dma_semaphore, #tpu.memory_space<semaphore_mem>>) src(%dma_wait3A_79 : memref<2000000x64xf32, #tpu.memory_space<hbm>>) dst(%dma_wait3A_73 : memref<128x64xf32, #tpu.memory_space<vmem>>)
    %dma_start3A_80 = arith.constant 0 : i32
    %dma_start3A_81 = arith.constant 45 : i32
    %dma_start3A_82 = arith.constant 0 : i32
    %dma_start3A_83 = arith.constant 0 : i32
    %dma_start3A_84 = tpu.memref_slice %arg6[%dma_start3A_80, %dma_start3A_82, %dma_start3A_83] : memref<5x128x64xf32, #tpu.memory_space<vmem>> -> memref<1x128x64xf32, #tpu.memory_space<vmem>>
    %dma_start3A_85 = tpu.memref_squeeze %dma_start3A_84 : memref<1x128x64xf32, #tpu.memory_space<vmem>> -> memref<128x64xf32, #tpu.memory_space<vmem>>
    %dma_start3A_86 = arith.constant 0 : i32
    %dma_start3A_87 = tpu.memref_slice %arg4[%mul3A_2, %dma_start3A_81, %dma_start3A_86] : memref<4096x50x64xf32, #tpu.memory_space<hbm>> -> memref<128x1x64xf32, #tpu.memory_space<hbm>>
    %dma_start3A_88 = tpu.memref_squeeze %dma_start3A_87 : memref<128x1x64xf32, #tpu.memory_space<hbm>> -> memref<128x64xf32, #tpu.memory_space<hbm>>
    %dma_start3A_89 = arith.constant 0 : i32
    %dma_start3A_90 = tpu.memref_slice %arg4[%mul3A_2, %dma_start3A_81, %dma_start3A_89] : memref<4096x50x64xf32, #tpu.memory_space<hbm>> -> memref<128x1x64xf32, #tpu.memory_space<hbm>>
    %dma_start3A_91 = tpu.memref_squeeze %dma_start3A_90 : memref<128x1x64xf32, #tpu.memory_space<hbm>> -> memref<128x64xf32, #tpu.memory_space<hbm>>
    %dma_start3A_92 = arith.constant 0 : i32
    %dma_start3A_93 = arith.constant 0 : i32
    %dma_start3A_94 = tpu.memref_slice %arg6[%dma_start3A_80, %dma_start3A_92, %dma_start3A_93] : memref<5x128x64xf32, #tpu.memory_space<vmem>> -> memref<1x128x64xf32, #tpu.memory_space<vmem>>
    %dma_start3A_95 = tpu.memref_squeeze %dma_start3A_94 : memref<1x128x64xf32, #tpu.memory_space<vmem>> -> memref<128x64xf32, #tpu.memory_space<vmem>>
    tpu.enqueue_dma source(%dma_start3A_95 : memref<128x64xf32, #tpu.memory_space<vmem>>) target(%dma_start3A_91 : memref<128x64xf32, #tpu.memory_space<hbm>>) target_semaphore(%arg12 : memref<!tpu.dma_semaphore, #tpu.memory_space<semaphore_mem>>)
    %dma_wait3A_96 = arith.constant 46 : i32
    %dma_wait3A_97 = arith.constant 1 : i32
    %dma_wait3A_98 = arith.constant 0 : i32
    %dma_wait3A_99 = arith.constant 0 : i32
    %dma_wait3A_100 = tpu.memref_slice %arg6[%dma_wait3A_97, %dma_wait3A_98, %dma_wait3A_99] : memref<5x128x64xf32, #tpu.memory_space<vmem>> -> memref<1x128x64xf32, #tpu.memory_space<vmem>>
    %dma_wait3A_101 = tpu.memref_squeeze %dma_wait3A_100 : memref<1x128x64xf32, #tpu.memory_space<vmem>> -> memref<128x64xf32, #tpu.memory_space<vmem>>
    %dma_wait3A_102 = arith.constant 0 : i32
    %dma_wait3A_103 = tpu.memref_slice %arg5[%dma_wait3A_96, %dma_wait3A_102] : memref<50x128xi32, #tpu.memory_space<vmem>> -> memref<1x128xi32, #tpu.memory_space<vmem>>
    %dma_wait3A_104 = tpu.memref_squeeze %dma_wait3A_103 : memref<1x128xi32, #tpu.memory_space<vmem>> -> memref<128xi32, #tpu.memory_space<vmem>>
    %dma_wait3A_105 = arith.constant 0 : i32
    %dma_wait3A_106 = arith.constant 0 : i32
    %dma_wait3A_107 = tpu.memref_slice %arg3[%dma_wait3A_105, %dma_wait3A_106] : memref<2000000x64xf32, #tpu.memory_space<hbm>> -> memref<2000000x64xf32, #tpu.memory_space<hbm>>
    tpu.wait_indirect_dma semaphore(%arg8 : memref<!tpu.dma_semaphore, #tpu.memory_space<semaphore_mem>>) src(%dma_wait3A_107 : memref<2000000x64xf32, #tpu.memory_space<hbm>>) dst(%dma_wait3A_101 : memref<128x64xf32, #tpu.memory_space<vmem>>)
    %dma_start3A_108 = arith.constant 1 : i32
    %dma_start3A_109 = arith.constant 46 : i32
    %dma_start3A_110 = arith.constant 0 : i32
    %dma_start3A_111 = arith.constant 0 : i32
    %dma_start3A_112 = tpu.memref_slice %arg6[%dma_start3A_108, %dma_start3A_110, %dma_start3A_111] : memref<5x128x64xf32, #tpu.memory_space<vmem>> -> memref<1x128x64xf32, #tpu.memory_space<vmem>>
    %dma_start3A_113 = tpu.memref_squeeze %dma_start3A_112 : memref<1x128x64xf32, #tpu.memory_space<vmem>> -> memref<128x64xf32, #tpu.memory_space<vmem>>
    %dma_start3A_114 = arith.constant 0 : i32
    %dma_start3A_115 = tpu.memref_slice %arg4[%mul3A_2, %dma_start3A_109, %dma_start3A_114] : memref<4096x50x64xf32, #tpu.memory_space<hbm>> -> memref<128x1x64xf32, #tpu.memory_space<hbm>>
    %dma_start3A_116 = tpu.memref_squeeze %dma_start3A_115 : memref<128x1x64xf32, #tpu.memory_space<hbm>> -> memref<128x64xf32, #tpu.memory_space<hbm>>
    %dma_start3A_117 = arith.constant 0 : i32
    %dma_start3A_118 = tpu.memref_slice %arg4[%mul3A_2, %dma_start3A_109, %dma_start3A_117] : memref<4096x50x64xf32, #tpu.memory_space<hbm>> -> memref<128x1x64xf32, #tpu.memory_space<hbm>>
    %dma_start3A_119 = tpu.memref_squeeze %dma_start3A_118 : memref<128x1x64xf32, #tpu.memory_space<hbm>> -> memref<128x64xf32, #tpu.memory_space<hbm>>
    %dma_start3A_120 = arith.constant 0 : i32
    %dma_start3A_121 = arith.constant 0 : i32
    %dma_start3A_122 = tpu.memref_slice %arg6[%dma_start3A_108, %dma_start3A_120, %dma_start3A_121] : memref<5x128x64xf32, #tpu.memory_space<vmem>> -> memref<1x128x64xf32, #tpu.memory_space<vmem>>
    %dma_start3A_123 = tpu.memref_squeeze %dma_start3A_122 : memref<1x128x64xf32, #tpu.memory_space<vmem>> -> memref<128x64xf32, #tpu.memory_space<vmem>>
    tpu.enqueue_dma source(%dma_start3A_123 : memref<128x64xf32, #tpu.memory_space<vmem>>) target(%dma_start3A_119 : memref<128x64xf32, #tpu.memory_space<hbm>>) target_semaphore(%arg13 : memref<!tpu.dma_semaphore, #tpu.memory_space<semaphore_mem>>)
    %dma_wait3A_124 = arith.constant 47 : i32
    %dma_wait3A_125 = arith.constant 2 : i32
    %dma_wait3A_126 = arith.constant 0 : i32
    %dma_wait3A_127 = arith.constant 0 : i32
    %dma_wait3A_128 = tpu.memref_slice %arg6[%dma_wait3A_125, %dma_wait3A_126, %dma_wait3A_127] : memref<5x128x64xf32, #tpu.memory_space<vmem>> -> memref<1x128x64xf32, #tpu.memory_space<vmem>>
    %dma_wait3A_129 = tpu.memref_squeeze %dma_wait3A_128 : memref<1x128x64xf32, #tpu.memory_space<vmem>> -> memref<128x64xf32, #tpu.memory_space<vmem>>
    %dma_wait3A_130 = arith.constant 0 : i32
    %dma_wait3A_131 = tpu.memref_slice %arg5[%dma_wait3A_124, %dma_wait3A_130] : memref<50x128xi32, #tpu.memory_space<vmem>> -> memref<1x128xi32, #tpu.memory_space<vmem>>
    %dma_wait3A_132 = tpu.memref_squeeze %dma_wait3A_131 : memref<1x128xi32, #tpu.memory_space<vmem>> -> memref<128xi32, #tpu.memory_space<vmem>>
    %dma_wait3A_133 = arith.constant 0 : i32
    %dma_wait3A_134 = arith.constant 0 : i32
    %dma_wait3A_135 = tpu.memref_slice %arg3[%dma_wait3A_133, %dma_wait3A_134] : memref<2000000x64xf32, #tpu.memory_space<hbm>> -> memref<2000000x64xf32, #tpu.memory_space<hbm>>
    tpu.wait_indirect_dma semaphore(%arg9 : memref<!tpu.dma_semaphore, #tpu.memory_space<semaphore_mem>>) src(%dma_wait3A_135 : memref<2000000x64xf32, #tpu.memory_space<hbm>>) dst(%dma_wait3A_129 : memref<128x64xf32, #tpu.memory_space<vmem>>)
    %dma_start3A_136 = arith.constant 2 : i32
    %dma_start3A_137 = arith.constant 47 : i32
    %dma_start3A_138 = arith.constant 0 : i32
    %dma_start3A_139 = arith.constant 0 : i32
    %dma_start3A_140 = tpu.memref_slice %arg6[%dma_start3A_136, %dma_start3A_138, %dma_start3A_139] : memref<5x128x64xf32, #tpu.memory_space<vmem>> -> memref<1x128x64xf32, #tpu.memory_space<vmem>>
    %dma_start3A_141 = tpu.memref_squeeze %dma_start3A_140 : memref<1x128x64xf32, #tpu.memory_space<vmem>> -> memref<128x64xf32, #tpu.memory_space<vmem>>
    %dma_start3A_142 = arith.constant 0 : i32
    %dma_start3A_143 = tpu.memref_slice %arg4[%mul3A_2, %dma_start3A_137, %dma_start3A_142] : memref<4096x50x64xf32, #tpu.memory_space<hbm>> -> memref<128x1x64xf32, #tpu.memory_space<hbm>>
    %dma_start3A_144 = tpu.memref_squeeze %dma_start3A_143 : memref<128x1x64xf32, #tpu.memory_space<hbm>> -> memref<128x64xf32, #tpu.memory_space<hbm>>
    %dma_start3A_145 = arith.constant 0 : i32
    %dma_start3A_146 = tpu.memref_slice %arg4[%mul3A_2, %dma_start3A_137, %dma_start3A_145] : memref<4096x50x64xf32, #tpu.memory_space<hbm>> -> memref<128x1x64xf32, #tpu.memory_space<hbm>>
    %dma_start3A_147 = tpu.memref_squeeze %dma_start3A_146 : memref<128x1x64xf32, #tpu.memory_space<hbm>> -> memref<128x64xf32, #tpu.memory_space<hbm>>
    %dma_start3A_148 = arith.constant 0 : i32
    %dma_start3A_149 = arith.constant 0 : i32
    %dma_start3A_150 = tpu.memref_slice %arg6[%dma_start3A_136, %dma_start3A_148, %dma_start3A_149] : memref<5x128x64xf32, #tpu.memory_space<vmem>> -> memref<1x128x64xf32, #tpu.memory_space<vmem>>
    %dma_start3A_151 = tpu.memref_squeeze %dma_start3A_150 : memref<1x128x64xf32, #tpu.memory_space<vmem>> -> memref<128x64xf32, #tpu.memory_space<vmem>>
    tpu.enqueue_dma source(%dma_start3A_151 : memref<128x64xf32, #tpu.memory_space<vmem>>) target(%dma_start3A_147 : memref<128x64xf32, #tpu.memory_space<hbm>>) target_semaphore(%arg14 : memref<!tpu.dma_semaphore, #tpu.memory_space<semaphore_mem>>)
    %dma_wait3A_152 = arith.constant 48 : i32
    %dma_wait3A_153 = arith.constant 3 : i32
    %dma_wait3A_154 = arith.constant 0 : i32
    %dma_wait3A_155 = arith.constant 0 : i32
    %dma_wait3A_156 = tpu.memref_slice %arg6[%dma_wait3A_153, %dma_wait3A_154, %dma_wait3A_155] : memref<5x128x64xf32, #tpu.memory_space<vmem>> -> memref<1x128x64xf32, #tpu.memory_space<vmem>>
    %dma_wait3A_157 = tpu.memref_squeeze %dma_wait3A_156 : memref<1x128x64xf32, #tpu.memory_space<vmem>> -> memref<128x64xf32, #tpu.memory_space<vmem>>
    %dma_wait3A_158 = arith.constant 0 : i32
    %dma_wait3A_159 = tpu.memref_slice %arg5[%dma_wait3A_152, %dma_wait3A_158] : memref<50x128xi32, #tpu.memory_space<vmem>> -> memref<1x128xi32, #tpu.memory_space<vmem>>
    %dma_wait3A_160 = tpu.memref_squeeze %dma_wait3A_159 : memref<1x128xi32, #tpu.memory_space<vmem>> -> memref<128xi32, #tpu.memory_space<vmem>>
    %dma_wait3A_161 = arith.constant 0 : i32
    %dma_wait3A_162 = arith.constant 0 : i32
    %dma_wait3A_163 = tpu.memref_slice %arg3[%dma_wait3A_161, %dma_wait3A_162] : memref<2000000x64xf32, #tpu.memory_space<hbm>> -> memref<2000000x64xf32, #tpu.memory_space<hbm>>
    tpu.wait_indirect_dma semaphore(%arg10 : memref<!tpu.dma_semaphore, #tpu.memory_space<semaphore_mem>>) src(%dma_wait3A_163 : memref<2000000x64xf32, #tpu.memory_space<hbm>>) dst(%dma_wait3A_157 : memref<128x64xf32, #tpu.memory_space<vmem>>)
    %dma_start3A_164 = arith.constant 3 : i32
    %dma_start3A_165 = arith.constant 48 : i32
    %dma_start3A_166 = arith.constant 0 : i32
    %dma_start3A_167 = arith.constant 0 : i32
    %dma_start3A_168 = tpu.memref_slice %arg6[%dma_start3A_164, %dma_start3A_166, %dma_start3A_167] : memref<5x128x64xf32, #tpu.memory_space<vmem>> -> memref<1x128x64xf32, #tpu.memory_space<vmem>>
    %dma_start3A_169 = tpu.memref_squeeze %dma_start3A_168 : memref<1x128x64xf32, #tpu.memory_space<vmem>> -> memref<128x64xf32, #tpu.memory_space<vmem>>
    %dma_start3A_170 = arith.constant 0 : i32
    %dma_start3A_171 = tpu.memref_slice %arg4[%mul3A_2, %dma_start3A_165, %dma_start3A_170] : memref<4096x50x64xf32, #tpu.memory_space<hbm>> -> memref<128x1x64xf32, #tpu.memory_space<hbm>>
    %dma_start3A_172 = tpu.memref_squeeze %dma_start3A_171 : memref<128x1x64xf32, #tpu.memory_space<hbm>> -> memref<128x64xf32, #tpu.memory_space<hbm>>
    %dma_start3A_173 = arith.constant 0 : i32
    %dma_start3A_174 = tpu.memref_slice %arg4[%mul3A_2, %dma_start3A_165, %dma_start3A_173] : memref<4096x50x64xf32, #tpu.memory_space<hbm>> -> memref<128x1x64xf32, #tpu.memory_space<hbm>>
    %dma_start3A_175 = tpu.memref_squeeze %dma_start3A_174 : memref<128x1x64xf32, #tpu.memory_space<hbm>> -> memref<128x64xf32, #tpu.memory_space<hbm>>
    %dma_start3A_176 = arith.constant 0 : i32
    %dma_start3A_177 = arith.constant 0 : i32
    %dma_start3A_178 = tpu.memref_slice %arg6[%dma_start3A_164, %dma_start3A_176, %dma_start3A_177] : memref<5x128x64xf32, #tpu.memory_space<vmem>> -> memref<1x128x64xf32, #tpu.memory_space<vmem>>
    %dma_start3A_179 = tpu.memref_squeeze %dma_start3A_178 : memref<1x128x64xf32, #tpu.memory_space<vmem>> -> memref<128x64xf32, #tpu.memory_space<vmem>>
    tpu.enqueue_dma source(%dma_start3A_179 : memref<128x64xf32, #tpu.memory_space<vmem>>) target(%dma_start3A_175 : memref<128x64xf32, #tpu.memory_space<hbm>>) target_semaphore(%arg15 : memref<!tpu.dma_semaphore, #tpu.memory_space<semaphore_mem>>)
    %dma_wait3A_180 = arith.constant 49 : i32
    %dma_wait3A_181 = arith.constant 4 : i32
    %dma_wait3A_182 = arith.constant 0 : i32
    %dma_wait3A_183 = arith.constant 0 : i32
    %dma_wait3A_184 = tpu.memref_slice %arg6[%dma_wait3A_181, %dma_wait3A_182, %dma_wait3A_183] : memref<5x128x64xf32, #tpu.memory_space<vmem>> -> memref<1x128x64xf32, #tpu.memory_space<vmem>>
    %dma_wait3A_185 = tpu.memref_squeeze %dma_wait3A_184 : memref<1x128x64xf32, #tpu.memory_space<vmem>> -> memref<128x64xf32, #tpu.memory_space<vmem>>
    %dma_wait3A_186 = arith.constant 0 : i32
    %dma_wait3A_187 = tpu.memref_slice %arg5[%dma_wait3A_180, %dma_wait3A_186] : memref<50x128xi32, #tpu.memory_space<vmem>> -> memref<1x128xi32, #tpu.memory_space<vmem>>
    %dma_wait3A_188 = tpu.memref_squeeze %dma_wait3A_187 : memref<1x128xi32, #tpu.memory_space<vmem>> -> memref<128xi32, #tpu.memory_space<vmem>>
    %dma_wait3A_189 = arith.constant 0 : i32
    %dma_wait3A_190 = arith.constant 0 : i32
    %dma_wait3A_191 = tpu.memref_slice %arg3[%dma_wait3A_189, %dma_wait3A_190] : memref<2000000x64xf32, #tpu.memory_space<hbm>> -> memref<2000000x64xf32, #tpu.memory_space<hbm>>
    tpu.wait_indirect_dma semaphore(%arg11 : memref<!tpu.dma_semaphore, #tpu.memory_space<semaphore_mem>>) src(%dma_wait3A_191 : memref<2000000x64xf32, #tpu.memory_space<hbm>>) dst(%dma_wait3A_185 : memref<128x64xf32, #tpu.memory_space<vmem>>)
    %dma_start3A_192 = arith.constant 4 : i32
    %dma_start3A_193 = arith.constant 49 : i32
    %dma_start3A_194 = arith.constant 0 : i32
    %dma_start3A_195 = arith.constant 0 : i32
    %dma_start3A_196 = tpu.memref_slice %arg6[%dma_start3A_192, %dma_start3A_194, %dma_start3A_195] : memref<5x128x64xf32, #tpu.memory_space<vmem>> -> memref<1x128x64xf32, #tpu.memory_space<vmem>>
    %dma_start3A_197 = tpu.memref_squeeze %dma_start3A_196 : memref<1x128x64xf32, #tpu.memory_space<vmem>> -> memref<128x64xf32, #tpu.memory_space<vmem>>
    %dma_start3A_198 = arith.constant 0 : i32
    %dma_start3A_199 = tpu.memref_slice %arg4[%mul3A_2, %dma_start3A_193, %dma_start3A_198] : memref<4096x50x64xf32, #tpu.memory_space<hbm>> -> memref<128x1x64xf32, #tpu.memory_space<hbm>>
    %dma_start3A_200 = tpu.memref_squeeze %dma_start3A_199 : memref<128x1x64xf32, #tpu.memory_space<hbm>> -> memref<128x64xf32, #tpu.memory_space<hbm>>
    %dma_start3A_201 = arith.constant 0 : i32
    %dma_start3A_202 = tpu.memref_slice %arg4[%mul3A_2, %dma_start3A_193, %dma_start3A_201] : memref<4096x50x64xf32, #tpu.memory_space<hbm>> -> memref<128x1x64xf32, #tpu.memory_space<hbm>>
    %dma_start3A_203 = tpu.memref_squeeze %dma_start3A_202 : memref<128x1x64xf32, #tpu.memory_space<hbm>> -> memref<128x64xf32, #tpu.memory_space<hbm>>
    %dma_start3A_204 = arith.constant 0 : i32
    %dma_start3A_205 = arith.constant 0 : i32
    %dma_start3A_206 = tpu.memref_slice %arg6[%dma_start3A_192, %dma_start3A_204, %dma_start3A_205] : memref<5x128x64xf32, #tpu.memory_space<vmem>> -> memref<1x128x64xf32, #tpu.memory_space<vmem>>
    %dma_start3A_207 = tpu.memref_squeeze %dma_start3A_206 : memref<1x128x64xf32, #tpu.memory_space<vmem>> -> memref<128x64xf32, #tpu.memory_space<vmem>>
    tpu.enqueue_dma source(%dma_start3A_207 : memref<128x64xf32, #tpu.memory_space<vmem>>) target(%dma_start3A_203 : memref<128x64xf32, #tpu.memory_space<hbm>>) target_semaphore(%arg16 : memref<!tpu.dma_semaphore, #tpu.memory_space<semaphore_mem>>)
    %dma_wait3A_208 = arith.constant 0 : i32
    %dma_wait3A_209 = arith.constant 45 : i32
    %dma_wait3A_210 = arith.constant 0 : i32
    %dma_wait3A_211 = arith.constant 0 : i32
    %dma_wait3A_212 = tpu.memref_slice %arg6[%dma_wait3A_208, %dma_wait3A_210, %dma_wait3A_211] : memref<5x128x64xf32, #tpu.memory_space<vmem>> -> memref<1x128x64xf32, #tpu.memory_space<vmem>>
    %dma_wait3A_213 = tpu.memref_squeeze %dma_wait3A_212 : memref<1x128x64xf32, #tpu.memory_space<vmem>> -> memref<128x64xf32, #tpu.memory_space<vmem>>
    %dma_wait3A_214 = arith.constant 0 : i32
    %dma_wait3A_215 = tpu.memref_slice %arg4[%mul3A_2, %dma_wait3A_209, %dma_wait3A_214] : memref<4096x50x64xf32, #tpu.memory_space<hbm>> -> memref<128x1x64xf32, #tpu.memory_space<hbm>>
    %dma_wait3A_216 = tpu.memref_squeeze %dma_wait3A_215 : memref<128x1x64xf32, #tpu.memory_space<hbm>> -> memref<128x64xf32, #tpu.memory_space<hbm>>
    %dma_wait3A_217 = arith.constant 0 : i32
    %dma_wait3A_218 = tpu.memref_slice %arg4[%mul3A_2, %dma_wait3A_209, %dma_wait3A_217] : memref<4096x50x64xf32, #tpu.memory_space<hbm>> -> memref<128x1x64xf32, #tpu.memory_space<hbm>>
    %dma_wait3A_219 = tpu.memref_squeeze %dma_wait3A_218 : memref<128x1x64xf32, #tpu.memory_space<hbm>> -> memref<128x64xf32, #tpu.memory_space<hbm>>
    %dma_wait3A_220 = arith.constant 0 : i32
    %dma_wait3A_221 = arith.constant 0 : i32
    %dma_wait3A_222 = tpu.memref_slice %arg6[%dma_wait3A_208, %dma_wait3A_220, %dma_wait3A_221] : memref<5x128x64xf32, #tpu.memory_space<vmem>> -> memref<1x128x64xf32, #tpu.memory_space<vmem>>
    %dma_wait3A_223 = tpu.memref_squeeze %dma_wait3A_222 : memref<1x128x64xf32, #tpu.memory_space<vmem>> -> memref<128x64xf32, #tpu.memory_space<vmem>>
    tpu.wait_dma2 semaphore(%arg12 : memref<!tpu.dma_semaphore, #tpu.memory_space<semaphore_mem>>) src(%dma_wait3A_223 : memref<128x64xf32, #tpu.memory_space<vmem>>) dst(%dma_wait3A_219 : memref<128x64xf32, #tpu.memory_space<hbm>>)
    %dma_wait3A_224 = arith.constant 1 : i32
    %dma_wait3A_225 = arith.constant 46 : i32
    %dma_wait3A_226 = arith.constant 0 : i32
    %dma_wait3A_227 = arith.constant 0 : i32
    %dma_wait3A_228 = tpu.memref_slice %arg6[%dma_wait3A_224, %dma_wait3A_226, %dma_wait3A_227] : memref<5x128x64xf32, #tpu.memory_space<vmem>> -> memref<1x128x64xf32, #tpu.memory_space<vmem>>
    %dma_wait3A_229 = tpu.memref_squeeze %dma_wait3A_228 : memref<1x128x64xf32, #tpu.memory_space<vmem>> -> memref<128x64xf32, #tpu.memory_space<vmem>>
    %dma_wait3A_230 = arith.constant 0 : i32
    %dma_wait3A_231 = tpu.memref_slice %arg4[%mul3A_2, %dma_wait3A_225, %dma_wait3A_230] : memref<4096x50x64xf32, #tpu.memory_space<hbm>> -> memref<128x1x64xf32, #tpu.memory_space<hbm>>
    %dma_wait3A_232 = tpu.memref_squeeze %dma_wait3A_231 : memref<128x1x64xf32, #tpu.memory_space<hbm>> -> memref<128x64xf32, #tpu.memory_space<hbm>>
    %dma_wait3A_233 = arith.constant 0 : i32
    %dma_wait3A_234 = tpu.memref_slice %arg4[%mul3A_2, %dma_wait3A_225, %dma_wait3A_233] : memref<4096x50x64xf32, #tpu.memory_space<hbm>> -> memref<128x1x64xf32, #tpu.memory_space<hbm>>
    %dma_wait3A_235 = tpu.memref_squeeze %dma_wait3A_234 : memref<128x1x64xf32, #tpu.memory_space<hbm>> -> memref<128x64xf32, #tpu.memory_space<hbm>>
    %dma_wait3A_236 = arith.constant 0 : i32
    %dma_wait3A_237 = arith.constant 0 : i32
    %dma_wait3A_238 = tpu.memref_slice %arg6[%dma_wait3A_224, %dma_wait3A_236, %dma_wait3A_237] : memref<5x128x64xf32, #tpu.memory_space<vmem>> -> memref<1x128x64xf32, #tpu.memory_space<vmem>>
    %dma_wait3A_239 = tpu.memref_squeeze %dma_wait3A_238 : memref<1x128x64xf32, #tpu.memory_space<vmem>> -> memref<128x64xf32, #tpu.memory_space<vmem>>
    tpu.wait_dma2 semaphore(%arg13 : memref<!tpu.dma_semaphore, #tpu.memory_space<semaphore_mem>>) src(%dma_wait3A_239 : memref<128x64xf32, #tpu.memory_space<vmem>>) dst(%dma_wait3A_235 : memref<128x64xf32, #tpu.memory_space<hbm>>)
    %dma_wait3A_240 = arith.constant 2 : i32
    %dma_wait3A_241 = arith.constant 47 : i32
    %dma_wait3A_242 = arith.constant 0 : i32
    %dma_wait3A_243 = arith.constant 0 : i32
    %dma_wait3A_244 = tpu.memref_slice %arg6[%dma_wait3A_240, %dma_wait3A_242, %dma_wait3A_243] : memref<5x128x64xf32, #tpu.memory_space<vmem>> -> memref<1x128x64xf32, #tpu.memory_space<vmem>>
    %dma_wait3A_245 = tpu.memref_squeeze %dma_wait3A_244 : memref<1x128x64xf32, #tpu.memory_space<vmem>> -> memref<128x64xf32, #tpu.memory_space<vmem>>
    %dma_wait3A_246 = arith.constant 0 : i32
    %dma_wait3A_247 = tpu.memref_slice %arg4[%mul3A_2, %dma_wait3A_241, %dma_wait3A_246] : memref<4096x50x64xf32, #tpu.memory_space<hbm>> -> memref<128x1x64xf32, #tpu.memory_space<hbm>>
    %dma_wait3A_248 = tpu.memref_squeeze %dma_wait3A_247 : memref<128x1x64xf32, #tpu.memory_space<hbm>> -> memref<128x64xf32, #tpu.memory_space<hbm>>
    %dma_wait3A_249 = arith.constant 0 : i32
    %dma_wait3A_250 = tpu.memref_slice %arg4[%mul3A_2, %dma_wait3A_241, %dma_wait3A_249] : memref<4096x50x64xf32, #tpu.memory_space<hbm>> -> memref<128x1x64xf32, #tpu.memory_space<hbm>>
    %dma_wait3A_251 = tpu.memref_squeeze %dma_wait3A_250 : memref<128x1x64xf32, #tpu.memory_space<hbm>> -> memref<128x64xf32, #tpu.memory_space<hbm>>
    %dma_wait3A_252 = arith.constant 0 : i32
    %dma_wait3A_253 = arith.constant 0 : i32
    %dma_wait3A_254 = tpu.memref_slice %arg6[%dma_wait3A_240, %dma_wait3A_252, %dma_wait3A_253] : memref<5x128x64xf32, #tpu.memory_space<vmem>> -> memref<1x128x64xf32, #tpu.memory_space<vmem>>
    %dma_wait3A_255 = tpu.memref_squeeze %dma_wait3A_254 : memref<1x128x64xf32, #tpu.memory_space<vmem>> -> memref<128x64xf32, #tpu.memory_space<vmem>>
    tpu.wait_dma2 semaphore(%arg14 : memref<!tpu.dma_semaphore, #tpu.memory_space<semaphore_mem>>) src(%dma_wait3A_255 : memref<128x64xf32, #tpu.memory_space<vmem>>) dst(%dma_wait3A_251 : memref<128x64xf32, #tpu.memory_space<hbm>>)
    %dma_wait3A_256 = arith.constant 3 : i32
    %dma_wait3A_257 = arith.constant 48 : i32
    %dma_wait3A_258 = arith.constant 0 : i32
    %dma_wait3A_259 = arith.constant 0 : i32
    %dma_wait3A_260 = tpu.memref_slice %arg6[%dma_wait3A_256, %dma_wait3A_258, %dma_wait3A_259] : memref<5x128x64xf32, #tpu.memory_space<vmem>> -> memref<1x128x64xf32, #tpu.memory_space<vmem>>
    %dma_wait3A_261 = tpu.memref_squeeze %dma_wait3A_260 : memref<1x128x64xf32, #tpu.memory_space<vmem>> -> memref<128x64xf32, #tpu.memory_space<vmem>>
    %dma_wait3A_262 = arith.constant 0 : i32
    %dma_wait3A_263 = tpu.memref_slice %arg4[%mul3A_2, %dma_wait3A_257, %dma_wait3A_262] : memref<4096x50x64xf32, #tpu.memory_space<hbm>> -> memref<128x1x64xf32, #tpu.memory_space<hbm>>
    %dma_wait3A_264 = tpu.memref_squeeze %dma_wait3A_263 : memref<128x1x64xf32, #tpu.memory_space<hbm>> -> memref<128x64xf32, #tpu.memory_space<hbm>>
    %dma_wait3A_265 = arith.constant 0 : i32
    %dma_wait3A_266 = tpu.memref_slice %arg4[%mul3A_2, %dma_wait3A_257, %dma_wait3A_265] : memref<4096x50x64xf32, #tpu.memory_space<hbm>> -> memref<128x1x64xf32, #tpu.memory_space<hbm>>
    %dma_wait3A_267 = tpu.memref_squeeze %dma_wait3A_266 : memref<128x1x64xf32, #tpu.memory_space<hbm>> -> memref<128x64xf32, #tpu.memory_space<hbm>>
    %dma_wait3A_268 = arith.constant 0 : i32
    %dma_wait3A_269 = arith.constant 0 : i32
    %dma_wait3A_270 = tpu.memref_slice %arg6[%dma_wait3A_256, %dma_wait3A_268, %dma_wait3A_269] : memref<5x128x64xf32, #tpu.memory_space<vmem>> -> memref<1x128x64xf32, #tpu.memory_space<vmem>>
    %dma_wait3A_271 = tpu.memref_squeeze %dma_wait3A_270 : memref<1x128x64xf32, #tpu.memory_space<vmem>> -> memref<128x64xf32, #tpu.memory_space<vmem>>
    tpu.wait_dma2 semaphore(%arg15 : memref<!tpu.dma_semaphore, #tpu.memory_space<semaphore_mem>>) src(%dma_wait3A_271 : memref<128x64xf32, #tpu.memory_space<vmem>>) dst(%dma_wait3A_267 : memref<128x64xf32, #tpu.memory_space<hbm>>)
    %dma_wait3A_272 = arith.constant 4 : i32
    %dma_wait3A_273 = arith.constant 49 : i32
    %dma_wait3A_274 = arith.constant 0 : i32
    %dma_wait3A_275 = arith.constant 0 : i32
    %dma_wait3A_276 = tpu.memref_slice %arg6[%dma_wait3A_272, %dma_wait3A_274, %dma_wait3A_275] : memref<5x128x64xf32, #tpu.memory_space<vmem>> -> memref<1x128x64xf32, #tpu.memory_space<vmem>>
    %dma_wait3A_277 = tpu.memref_squeeze %dma_wait3A_276 : memref<1x128x64xf32, #tpu.memory_space<vmem>> -> memref<128x64xf32, #tpu.memory_space<vmem>>
    %dma_wait3A_278 = arith.constant 0 : i32
    %dma_wait3A_279 = tpu.memref_slice %arg4[%mul3A_2, %dma_wait3A_273, %dma_wait3A_278] : memref<4096x50x64xf32, #tpu.memory_space<hbm>> -> memref<128x1x64xf32, #tpu.memory_space<hbm>>
    %dma_wait3A_280 = tpu.memref_squeeze %dma_wait3A_279 : memref<128x1x64xf32, #tpu.memory_space<hbm>> -> memref<128x64xf32, #tpu.memory_space<hbm>>
    %dma_wait3A_281 = arith.constant 0 : i32
    %dma_wait3A_282 = tpu.memref_slice %arg4[%mul3A_2, %dma_wait3A_273, %dma_wait3A_281] : memref<4096x50x64xf32, #tpu.memory_space<hbm>> -> memref<128x1x64xf32, #tpu.memory_space<hbm>>
    %dma_wait3A_283 = tpu.memref_squeeze %dma_wait3A_282 : memref<128x1x64xf32, #tpu.memory_space<hbm>> -> memref<128x64xf32, #tpu.memory_space<hbm>>
    %dma_wait3A_284 = arith.constant 0 : i32
    %dma_wait3A_285 = arith.constant 0 : i32
    %dma_wait3A_286 = tpu.memref_slice %arg6[%dma_wait3A_272, %dma_wait3A_284, %dma_wait3A_285] : memref<5x128x64xf32, #tpu.memory_space<vmem>> -> memref<1x128x64xf32, #tpu.memory_space<vmem>>
    %dma_wait3A_287 = tpu.memref_squeeze %dma_wait3A_286 : memref<1x128x64xf32, #tpu.memory_space<vmem>> -> memref<128x64xf32, #tpu.memory_space<vmem>>
    tpu.wait_dma2 semaphore(%arg16 : memref<!tpu.dma_semaphore, #tpu.memory_space<semaphore_mem>>) src(%dma_wait3A_287 : memref<128x64xf32, #tpu.memory_space<vmem>>) dst(%dma_wait3A_283 : memref<128x64xf32, #tpu.memory_space<hbm>>)
    return
  }
}

</mosaic_0001>

<sc_bundles>
// kernel: kernel.3.cloned.1.call-start
scs
__scs_entry_jumppad:
0x0: {  	(pc) =	sbr.rel $0x88, $3  }
0x1: {  	(tag) =	ssettag $0x0;
	lr =	simm.s32 $0x1  }
0x2: {  	[smem:$0x3F9F] =	sst lr;
	_ =	strace $0xD0000000  }
0x3: {  	_ = 	snop  }
0x4: {  	_ = 	snop  }
0x5: {  	_ = 	snop  }
0x6: {  	_ = 	snop  }
0x7: {  	_ = 	snop  }
__scs_overlays_trampoline_lowered:
0x8: {  	[smem:$0x3FAE] =	sst s0  }
0x9: {  	[smem:$0x3FAF] =	sst s1  }
0xa: {  	[smem:$0x3FB0] =	sst s2  }
0xb: {  	[smem:$0x3FB1] =	sst s3  }
0xc: {  	[smem:$0x3FB2] =	sst s4  }
0xd: {  	[smem:$0x3FB3] =	sst s5  }
0xe: {  	[smem:$0x3FB4] =	sst s6  }
0xf: {  	[smem:$0x3FB5] =	sst s7  }
0x10: {  	[smem:$0x3FB6] =	sst s8  }
0x11: {  	[smem:$0x3FB7] =	sst s9;
	s0 =	simm.s32 @!p0 $0x0  }
0x12: {  	s1 =	sld [smem:$0x3F9D];
	s0 =	simm.s32 @p0 $0x1  }
0x13: {  	[smem:$0x3FB8] =	sst s0;
	s0 =	simm.s32 @!p1 $0x0  }
0x14: {  	s2 =	sld [smem:$0x3F9C];
	s0 =	simm.s32 @p1 $0x1  }
0x15: {  	[smem:$0x3FB9] =	sst s0;
	s0 =	simm.s32 @!p2 $0x0  }
0x16: {  	s3 =	sld [smem:$0x3FDB];
	s0 =	simm.s32 @p2 $0x1  }
0x17: {  	s4 =	simm.s32 $0x1BF5;
	[smem:$0x3FBB] =	sst s0  }
0x18: {  	s0 =	sld [smem:$0x3F9E];
	_ =	swait.ge [sflag:s4], $0x0  }
0x19: {  	s7 =	sld [smem:$0x3F9F]  }
0x1a: {  	s8 =	sadd.s32 $0xFFFFE003, lr  }
0x1b: {  	s9 =	sadd.s32 $0xFFFFFEF7, lr;
	s5 =	simm.s32 $0xFFFFFFFF;
	p2 =	slt.u32 s8, $0xFFFFF086  }
0x1c: {  	p1 =	slt.u32 s9, $0xF7A;
	s5 =	simm.s32 @!p2 $0x0  }
0x1d: {  	s5 =	simm.s32 @p1 $0x1;
	p0 =	seq.s32 s7, s2  }
0x1e: {  	s7 =	smul.u32 @!p0 $0xF7A, s2;
	p2 =	seq.s32 @!p0 s5, $0x0  }
0x1f: {  	s9 =	smul.u32 $0xF7A, s1;
	s8 =	simm.s32 @!p0 $0x1BF5;
	p2 =	por !p2, p0  }
0x20: {  	[sflag:s8] =	ssyncset.s32 @!p0 $0xFFFFF086;
	s6 =	sadd.s32 @!p0 s3, s7;
	s7 =	simm.s32 @!p0 $0x108  }
0x21: {  	s3 =	sadd.s32 s3, s9;
	s6 =	sadd.s32 @!p0 $0x88, s6;
	s7 =	simm.s32 @p2 $0x1082  }
0x22: {  	[simem:s7], [sflag:s8] =	dma.local @!p0 [hbm:s6], $0xF7A  }
0x23: {  	s9 =	sor.u32 $0xD0000000, s2;
	s6 =	simm.s32 $0x108;
	_ =	swait.ge @!p0 [sflag:s8], $0x0  }
0x24: {  	s3 =	sadd.s32 $0x88, s3;
	s6 =	simm.s32 @!p1 $0x1082;
	[sflag:s4] =	ssyncset.s32 $0xFFFFF086  }
0x25: {  	[simem:s6], [sflag:s4] =	dma.local [hbm:s3], $0xF7A  }
0x26: {  	[smem:$0x3F9F] =	sst s1;
	(tag) =	ssettag s2;
	_ =	strace s9  }
0x27: {  	s1 =	sld [smem:$0x3FAF]  }
0x28: {  	s2 =	sld [smem:$0x3FB0]  }
0x29: {  	s4 =	sld [smem:$0x3FB2]  }
0x2a: {  	p0 =	seq.s32 s5, $0x0;
	s5 =	sld [smem:$0x3FB3]  }
0x2b: {  	s6 =	sld [smem:$0x3FB4]  }
0x2c: {  	s7 =	sld [smem:$0x3FB5]  }
0x2d: {  	s3 =	simm.s32 $0x108;
	s8 =	sld [smem:$0x3FB6]  }
0x2e: {  	s3 =	simm.s32 @!p0 $0x1082;
	s9 =	sld [smem:$0x3FB7]  }
0x2f: {  	lr =	sadd.s32 s0, s3;
	s0 =	sld [smem:$0x3FAE]  }
0x30: {  	s3 =	sld [smem:$0x3FB1]  }
0x31: {  	[smem:$0x3FBA] =	sst s10  }
0x32: {  	s10 =	sld [smem:$0x3FB8];
	_ =	sdelay $0x3  }
0x33: {  	p0 =	seq.s32 s10, $0x1;
	s10 =	sld [smem:$0x3FBA];
	_ =	sdelay $0x3  }
0x34: {  	[smem:$0x3FBA] =	sst s10  }
0x35: {  	s10 =	sld [smem:$0x3FB9];
	_ =	sdelay $0x3  }
0x36: {  	p1 =	seq.s32 s10, $0x1;
	s10 =	sld [smem:$0x3FBA];
	_ =	sdelay $0x3  }
0x37: {  	[smem:$0x3FBA] =	sst s10  }
0x38: {  	s10 =	sld [smem:$0x3FBB]  }
0x39: {  	_ = 	snop;
	(pc) =	sbr.ind lr, $3  }
0x3a: {  	_ = 	snop  }
0x3b: {  	_ = 	snop  }
0x3c: {  	p2 =	seq.s32 s10, $0x1;
	s10 =	sld [smem:$0x3FBA]  }
0x3d: {  	_ =	shalt  }
0x3e: {  	_ =	shalt  }
0x3f: {  	_ =	shalt  }
0x40: {  	_ =	shalt  }
0x41: {  	_ =	shalt  }
0x42: {  	_ =	shalt  }
0x43: {  	_ =	shalt  }
0x44: {  	_ =	shalt  }
0x45: {  	_ =	shalt  }
0x46: {  	_ =	shalt  }
0x47: {  	_ =	shalt  }
0x48: {  	_ =	shalt  }
0x49: {  	_ =	shalt  }
0x4a: {  	_ =	shalt  }
0x4b: {  	_ =	shalt  }
0x4c: {  	_ =	shalt  }
0x4d: {  	_ =	shalt  }
0x4e: {  	_ =	shalt  }
0x4f: {  	_ =	shalt  }
0x50: {  	_ =	shalt  }
0x51: {  	_ =	shalt  }
0x52: {  	_ =	shalt  }
0x53: {  	_ =	shalt  }
0x54: {  	_ =	shalt  }
0x55: {  	_ =	shalt  }
0x56: {  	_ =	shalt  }
0x57: {  	_ =	shalt  }
0x58: {  	_ =	shalt  }
0x59: {  	_ =	shalt  }
0x5a: {  	_ =	shalt  }
0x5b: {  	_ =	shalt  }
0x5c: {  	_ =	shalt  }
0x5d: {  	_ =	shalt  }
0x5e: {  	_ =	shalt  }
0x5f: {  	_ =	shalt  }
0x60: {  	_ =	shalt  }
0x61: {  	_ =	shalt  }
0x62: {  	_ =	shalt  }
0x63: {  	_ =	shalt  }
0x64: {  	_ =	shalt  }
0x65: {  	_ =	shalt  }
0x66: {  	_ =	shalt  }
0x67: {  	_ =	shalt  }
0x68: {  	_ =	shalt  }
0x69: {  	_ =	shalt  }
0x6a: {  	_ =	shalt  }
0x6b: {  	_ =	shalt  }
0x6c: {  	_ =	shalt  }
0x6d: {  	_ =	shalt  }
0x6e: {  	_ =	shalt  }
0x6f: {  	_ =	shalt  }
0x70: {  	_ =	shalt  }
0x71: {  	_ =	shalt  }
0x72: {  	_ =	shalt  }
0x73: {  	_ =	shalt  }
0x74: {  	_ =	shalt  }
0x75: {  	_ =	shalt  }
0x76: {  	_ =	shalt  }
0x77: {  	_ =	shalt  }
0x78: {  	_ =	shalt  }
0x79: {  	_ =	shalt  }
0x7a: {  	_ =	shalt  }
0x7b: {  	_ =	shalt  }
0x7c: {  	_ =	shalt  }
0x7d: {  	_ =	shalt  }
0x7e: {  	_ =	shalt  }
0x7f: {  	_ =	shalt  }
0x80: {  	_ =	shalt  }
0x81: {  	_ =	shalt  }
0x82: {  	_ =	shalt  }
0x83: {  	_ =	shalt  }
0x84: {  	_ =	shalt  }
0x85: {  	_ =	shalt  }
0x86: {  	_ =	shalt  }
0x87: {  	_ =	shalt  }
.Lfunc_end0:
.L_simem_size_0:
called_computation.2_lowered:
.L_overlay_start_0:
0x88: {  	s2 =	sld [smem:$0x3FD9]  }
0x89: {  	s3 =	sld [smem:$0x3FFE];
	_ =	sdelay $0x1  }
0x8a: {  	s1 =	srdreg.scid  }
0x8b: {  	s0 =	sand.u32 $0x1, s1  }
0x8c: {  	s17 =	sshll.u32 s0, $0xA;
	s2 =	sadd.s32 s3, s2  }
0x8d: {  	s2 =	sadd.s32 s2, s17  }
0x8e: {  	[smem:$0x3FC6] =	sst s2  }
0x8f: {  	_ = 	snop  }
0x90: {  	s2 =	sld [smem:$0x3FD0];
	(tm) =	ssettm $0x1  }
0x91: {  	s18 =	sld [smem:$0x3FFB];
	_ =	sdelay $0x3  }
0x92: {  	_ =	strace s18  }
0x93: {  	s3 =	sld [smem:$0x3FFC];
	_ =	sdelay $0x3  }
0x94: {  	_ =	strace s3  }
0x95: {  	s3 =	sld [smem:$0x3FFD];
	_ =	sdelay $0x3  }
0x96: {  	_ =	strace s3  }
0x97: {  	_ =	strace $0x8FFFFFFF  }
0x98: {  	s19 =	sld [smem:$0x3FDB];
	_ =	sdelay $0x1  }
0x99: {  	s4 =	simm.s32 $_scs_section_size  }
0x9a: {  	s5 =	simm.s32 $_size__tile_overlayer_lowered;
	s6 =	simm.s32 $_tile_overlayer_lowered  }
0x9b: {  	s22 =	simm.s32 $0x1BFF;
	s21 =	sshll.u32 s6, $0x1;
	s3 =	sadd.s32 s4, s19  }
0x9c: {  	s7 =	simm.s32 $0x0;
	s20 =	sshll.u32 s5, $0x1;
	s5 =	sadd.s32 s21, s3  }
0x9d: {  	[timem:s7], [sflag:s22] =	dma.local [hbm:s5], s20  }
0x9e: {  	_ =	swait.ge [sflag:s22], s20  }
0x9f: {  	s4 =	ssub.s32 $0x0, s20;
	[sflag:s22] =	ssyncset.done $0x0  }
0xa0: {  	[sflag:s22] =	ssyncadd.s32 s4;
	_ =	sdelay $0x1  }
0xa1: {  	s23 =	simm.s32 $0x1B8B  }
0xa2: {  	_ =	swait.ge [sflag:s23], $0x1  }
0xa3: {  	[sflag:s23] =	ssyncset.done $0x0  }
0xa4: {  	s25 =	simm.s32 $0x1B8E;
	s24 =	sld [smem:$0x3FFE];
	[sflag:s23] =	ssyncadd.s32 $0xFFFFFFFF  }
0xa5: {  	s26 =	simm.s32 $execute0_lowered;
	[smem:$0x3FD2] =	sst s25  }
0xa6: {  	s5 =	sshll.u32 s26, $0x1;
	_ =	strace $0x80000049;
	[dreg:$0x1] =	wrdreg $0xFFFFFFFF  }
0xa7: {  	s28 =	simm.s32 $_size_execute0_lowered;
	s3 =	sadd.s32 s3, s5;
	[dreg:$0x0] =	wrdreg $0x0  }
0xa8: {  	s5 =	sshll.u32 s28, $0x1;
	[dreg:$0x2] =	wrdreg s3  }
0xa9: {  	[dreg:$0x3] =	wrdreg s5  }
0xaa: {  	[dreg:$0x4] =	wrdreg $0xC0  }
0xab: {  	_ =	task [dreg:s7], $0x5FFFF  }
0xac: {  	[dreg:$0x1] =	wrdreg $0xFFFFFFFF  }
0xad: {  	[dreg:$0x0] =	wrdreg $0x60  }
0xae: {  	[dreg:$0x2] =	wrdreg s24  }
0xaf: {  	[dreg:$0x3] =	wrdreg s2  }
0xb0: {  	[dreg:$0x4] =	wrdreg $0x9  }
0xb1: {  	_ =	task.clear_ibuf [dreg:s7], $0x5FFFF;
	_ =	strace $0x90000049  }
0xb2: {  	s29 =	simm.s32 $0x9;
	_ =	strace $0x8000004B  }
0xb3: {  	_ =	swait.ge [sflag:s29], $0x1  }
0xb4: {  	[sflag:s29] =	ssyncadd.s32 $0xFFFFFFFF  }
0xb5: {  	_ =	strace $0x9000004B  }
0xb6: {  	_ =	sfence  }
0xb7: {  	s30 =	sld [smem:$0x0];
	_ =	sdelay $0x2  }
0xb8: {  	s31 =	sshll.u32 s1, $0xD;
	s1 =	sshrl.u32 s1, $0x2  }
0xb9: {  	s3 =	sand.u32 $0x4000, s31;
	s1 =	sadd.s32 s1, s30  }
0xba: {  	s0 =	sor.u32 s3, s0;
	s1 =	sshll.u32 s1, $0x11  }
0xbb: {  	s0 =	sor.u32 s1, s0  }
0xbc: {  	s0 =	sadd.s32 $0x8F2B, s0  }
0xbd: {  	[sflag:s0] =	ssyncadd.remote.s32 $0x1  }
0xbe: {  	_ =	sfence.sel $0xFFFF  }
0xbf: {  	[dreg:$0x0] =	wrdreg $0xFFFFFFFF;
	(pc) =	sbr.abs _section_cstart, $3  }
0xc0: {  	[dreg:$0x1] =	wrdreg $0xFFFFFFFF  }
0xc1: {  	_ =	task.clear_ibuf [dreg:s7], $0x2FFFF;
	_ =	strace $0x9FFFFFFF  }
0xc2: {  	(tm) =	ssettm $0x7FFFFFFF  }
0xc3: {  	_ =	shalt  }
tec
execute0_lowered:
.L_overlay_start_1:
0x0: {  	(tag) =	ssettag $0x1  }
0x1: {  	s0 =	rddreg [dreg:$0x0]  }
0x2: {  	s1 =	rddreg [dreg:$0x1]  }
0x3: {  	s2 =	srdreg.scid;
	s7 =	stileid.u32;
	s5 =	simm.s32 $0x0  }
0x4: {  	s28 =	simm.s32 $0x1;
	s29 =	simm.s32 $0x40;
	s30 =	simm.s32 $0xC80  }
0x5: {  	s31 =	simm.s32 $0x6;
	s2 =	sand.u32 $0x1, s2;
	s3 =	sshll.u32 s7, $0x8  }
0x6: {  	[smem:$0x7FF] =	sst s5;
	s7 =	smul.u32 $0xC8000, s7;
	s4 =	sshll.u32 s2, $0x7  }
0x7: {  	s6 =	ssub.s32 $0x2, s2;
	s2 =	smul.u32 $0x64000, s2;
	s3 =	sor.u32 s4, s3  }
0x8: {  	_ =	strace $0x8000004A;
	s15 =	sshrl.u32 s6, $0x1;
	s4 =	sshrl.u32 s3, $0x3  }
0x9: {  	s14 =	smul.u32 $0x190, s3;
	s3 =	sadd.s32 $0xF49600, s0;
	s2 =	sadd.s32 s2, s7  }
0xa: {  	s4 =	sadd.s32 s4, s0;
	s0 =	ssub.s32 s6, s15;
	s20 =	sor.u32 $0x100, s2  }
0xb: {  	s22 =	sor.u32 $0xC0, s2;
	s25 =	sor.u32 $0x80, s2;
	s26 =	sor.u32 $0x40, s2  }
0xc: {  	s2 =	sshrl.u32 s2, $0x3;
	s4 =	sadd.s32 $0xF43200, s4;
	s16 =	sadd.s32 s14, s1  }
0xd: {  	s21 =	sshrl.u32 s20, $0x3;
	s0 =	smax.u32 s0, $0x1;
	[dreg:$0x3] =	wrdreg s4  }
0xe: {  	s24 =	sshrl.u32 s22, $0x3;
	s5 =	sadd.s32 $0x168, s16;
	[dreg:$0x9] =	wrdreg s0  }
0xf: {  	s15 =	sadd.s32 s2, s1;
	s17 =	sadd.s32 $0x170, s16;
	[dreg:$0x4] =	wrdreg s5  }
0x10: {  	s20 =	simm.s32 $0x3900;
	s18 =	sadd.s32 $0x178, s16;
	[dreg:$0x5] =	wrdreg s17  }
0x11: {  	s22 =	simm.s32 $0x5900;
	s19 =	sadd.s32 $0x180, s16;
	[dreg:$0x6] =	wrdreg s18  }
0x12: {  	s2 =	simm.s32 $0x3;
	s4 =	sadd.s32 $0x188, s16;
	[dreg:$0x7] =	wrdreg s19  }
0x13: {  	s23 =	sadd.s32 s21, s1;
	s0 =	sadd.s32 s24, s1;
	[dreg:$0x8] =	wrdreg s4  }
0x14: {  	s16 =	simm.s32 $0x80;
	s24 =	simm.s32 $0x7900;
	[dreg:$0xa] =	wrdreg s23  }
0x15: {  	s21 =	simm.s32 $0x4;
	[dreg:$0xb] =	wrdreg s0;
	s0 =	sshrl.u32 s25, $0x3  }
0x16: {  	s4 =	sshrl.u32 s26, $0x3;
	s19 =	simm.s32 $0x1900;
	s26 =	simm.s32 $0x9900  }
0x17: {  	s17 =	simm.s32 $0x8;
	s23 =	simm.s32 $0x9;
	s25 =	simm.s32 $0x5  }
0x18: {  	s5 =	simm.s32 $0x0;
	s13 =	sadd.s32 s0, s1;
	s14 =	sadd.s32 s4, s1  }
0x19: {  	s0 =	simm.s32 $0x2;
	s1 =	simm.s32 $0x7;
	s4 =	simm.s32 $0xA  }
.LBB2_1:
0x1a: {  	s6 =	simm.s32 $0x0  }
0x1b: {  	s7 =	rddreg [dreg:$0x3];
	s8 =	simm.s32 $0x1000;
	s18 =	simm.s32 $0xB  }
0x1c: {  	[tilespmem:s6], [sflag:$0xB] =	stream.strided.gather [hbm4b:s7+s16], $0x1900, s8, s16, $0x38;
	[tilespmem:$0xB900] =	vst v63  }
0x1d: {  	_ =	swait.ge [sflag:s18], $0x1900  }
0x1e: {  	[sflag:s18] =	ssyncset.done $0x0  }
0x1f: {  	s6 =	simm.s32 $0x0;
	[sflag:s18] =	ssyncadd.s32 $0xFFFFE700  }
0x20: {  	v1 =	vld [tilespmem:s6+$0x70]  }
0x21: {  	v4 =	vld [tilespmem:s6+$0x0]  }
0x22: {  	v5 =	vld [tilespmem:s6+$0x10]  }
0x23: {  	v3 =	vld [tilespmem:s6+$0x20]  }
0x24: {  	v2 =	vld [tilespmem:s6+$0x30]  }
0x25: {  	v0 =	vld [tilespmem:s6+$0x40];
	v6 =	vshll.u32 v1, $0x1  }
0x26: {  	v1 =	vld [tilespmem:s6+$0x50];
	v4 =	vshll.u32 v4, $0x1;
	[tilespmem:s6+$0x70] =	vst v6  }
0x27: {  	s7 =	simm.s32 $0x80;
	s8 =	simm.s32 $0x400;
	v5 =	vshll.u32 v5, $0x1;
	[tilespmem:s6+$0x0] =	vst v4;
	v4 =	vld [tilespmem:s6+$0x60]  }
.LBB2_2:
0x28: {  	p0 =	sne.s32 s8, $0x6200;
	v6 =	vld [tilespmem:s7+$0x70];
	[tilespmem:s6+$0x10] =	vst v5;
	v3 =	vshll.u32 v3, $0x1  }
0x29: {  	v5 =	vld [tilespmem:s7+$0x0];
	[tilespmem:s6+$0x20] =	vst v3;
	v2 =	vshll.u32 v2, $0x1  }
0x2a: {  	v7 =	vld [tilespmem:s7+$0x10];
	[tilespmem:s6+$0x30] =	vst v2;
	v0 =	vshll.u32 v0, $0x1  }
.Ltmp0:
0x2b: {  	v3 =	vld [tilespmem:s7+$0x20];
	[tilespmem:s6+$0x40] =	vst v0;
	v0 =	vshll.u32 v1, $0x1;
	(pc) =	sbr.rel @p0 .LBB2_2-.Ltmp0, $4  }
0x2c: {  	v2 =	vld [tilespmem:s7+$0x30];
	[tilespmem:s6+$0x50] =	vst v0;
	v1 =	vshll.u32 v4, $0x1  }
0x2d: {  	v0 =	vld [tilespmem:s7+$0x40];
	v4 =	vshll.u32 v6, $0x1;
	[tilespmem:s6+$0x60] =	vst v1;
	s6 =	smov.u32 s7  }
0x2e: {  	v5 =	vshll.u32 v5, $0x1;
	v1 =	vld [tilespmem:s6+$0x50];
	[tilespmem:s6+$0x70] =	vst v4  }
0x2f: {  	s7 =	sshra.s32 s8, $0x2;
	s8 =	sadd.s32 $0x200, s8;
	[tilespmem:s6+$0x0] =	vst v5;
	v5 =	vshll.u32 v7, $0x1;
	v4 =	vld [tilespmem:s6+$0x60]  }
0x30: {  	v6 =	vld [tilespmem:s7+$0x70];
	[tilespmem:s6+$0x10] =	vst v5;
	v3 =	vshll.u32 v3, $0x1  }
0x31: {  	v7 =	vld [tilespmem:s7+$0x0];
	[tilespmem:s6+$0x20] =	vst v3;
	v2 =	vshll.u32 v2, $0x1  }
0x32: {  	v49 =	vld [tilespmem:s7+$0x10];
	[tilespmem:s6+$0x30] =	vst v2;
	v0 =	vshll.u32 v0, $0x1  }
0x33: {  	v50 =	vld [tilespmem:s7+$0x20];
	[tilespmem:s6+$0x40] =	vst v0;
	v52 =	vshll.u32 v1, $0x1  }
0x34: {  	v51 =	vld [tilespmem:s7+$0x30];
	[tilespmem:s6+$0x50] =	vst v52;
	v4 =	vshll.u32 v4, $0x1  }
0x35: {  	v53 =	vld [tilespmem:s7+$0x40];
	v54 =	vshll.u32 v6, $0x1;
	[tilespmem:s6+$0x60] =	vst v4  }
0x36: {  	v55 =	vld [tilespmem:s7+$0x50];
	v56 =	vshll.u32 v7, $0x1;
	[tilespmem:s7+$0x70] =	vst v54  }
0x37: {  	v58 =	vld [tilespmem:s7+$0x60];
	v57 =	vshll.u32 v49, $0x1;
	[tilespmem:s7+$0x0] =	vst v56  }
0x38: {  	v59 =	vshll.u32 v50, $0x1;
	[tilespmem:s7+$0x10] =	vst v57  }
0x39: {  	v60 =	vshll.u32 v51, $0x1;
	[tilespmem:s7+$0x20] =	vst v59  }
0x3a: {  	v61 =	vshll.u32 v53, $0x1;
	[tilespmem:s7+$0x30] =	vst v60  }
0x3b: {  	v62 =	vshll.u32 v55, $0x1;
	[tilespmem:s7+$0x40] =	vst v61  }
0x3c: {  	v63 =	vshll.u32 v58, $0x1;
	[tilespmem:s7+$0x50] =	vst v62  }
0x3d: {  	s18 =	simm.s32 $0x0;
	[tilespmem:s7+$0x60] =	vst v63  }
0x3e: {  	[tilespmem:s19], [sflag:$0x1] =	stream.indirect.gather [hbm4b:s3+s16], $0x40, s18, s16, $0xb8;
	[tilespmem:$0xB900] =	vst v63  }
0x3f: {  	_ = 	snop  }
0x40: {  	[tilespmem:s20], [sflag:$0x2] =	stream.indirect.gather [hbm4b:s3+s16], $0x40, s16, s16, $0xb8;
	[tilespmem:$0xB900] =	vst v63  }
0x41: {  	s7 =	simm.s32 $0x100  }
0x42: {  	[tilespmem:s22], [sflag:$0x3] =	stream.indirect.gather [hbm4b:s3+s16], $0x40, s7, s16, $0xb8;
	[tilespmem:$0xB900] =	vst v63  }
0x43: {  	s8 =	simm.s32 $0x180  }
0x44: {  	[tilespmem:s24], [sflag:$0x4] =	stream.indirect.gather [hbm4b:s3+s16], $0x40, s8, s16, $0xb8;
	[tilespmem:$0xB900] =	vst v63  }
0x45: {  	s9 =	simm.s32 $0x200  }
0x46: {  	[tilespmem:s26], [sflag:$0x5] =	stream.indirect.gather [hbm4b:s3+s16], $0x40, s9, s16, $0xb8;
	[tilespmem:$0xB900] =	vst v63  }
0x47: {  	_ =	swait.ge [sflag:s28], $0x2000  }
0x48: {  	[sflag:s28] =	ssyncset.done $0x0  }
0x49: {  	[sflag:s28] =	ssyncadd.s32 $0xFFFFE000  }
0x4a: {  	[hbm4b:s15+s29] =	stream.strided.scatter [tilespmem:s19], [sflag:$0x6], $0x2000, s30, s29, $0x38;
	[tilespmem:$0xB900] =	vst v63  }
0x4b: {  	_ =	swait.ge [sflag:s31], $0x2000  }
0x4c: {  	[sflag:s31] =	ssyncset.done $0x0  }
0x4d: {  	s10 =	simm.s32 $0x280;
	[sflag:s31] =	ssyncadd.s32 $0xFFFFE000  }
0x4e: {  	[tilespmem:s19], [sflag:$0x1] =	stream.indirect.gather [hbm4b:s3+s16], $0x40, s10, s16, $0xb8;
	[tilespmem:$0xB900] =	vst v63  }
0x4f: {  	_ =	swait.ge [sflag:s0], $0x2000  }
0x50: {  	[sflag:s0] =	ssyncset.done $0x0  }
0x51: {  	[sflag:s0] =	ssyncadd.s32 $0xFFFFE000  }
0x52: {  	[hbm4b:s14+s29] =	stream.strided.scatter [tilespmem:s20], [sflag:$0x7], $0x2000, s30, s29, $0x38;
	[tilespmem:$0xB900] =	vst v63  }
0x53: {  	_ =	swait.ge [sflag:s1], $0x2000  }
0x54: {  	[sflag:s1] =	ssyncset.done $0x0  }
0x55: {  	s11 =	simm.s32 $0x300;
	[sflag:s1] =	ssyncadd.s32 $0xFFFFE000  }
0x56: {  	[tilespmem:s20], [sflag:$0x2] =	stream.indirect.gather [hbm4b:s3+s16], $0x40, s11, s16, $0xb8;
	[tilespmem:$0xB900] =	vst v63  }
0x57: {  	_ =	swait.ge [sflag:s2], $0x2000  }
0x58: {  	[sflag:s2] =	ssyncset.done $0x0  }
0x59: {  	[sflag:s2] =	ssyncadd.s32 $0xFFFFE000  }
0x5a: {  	[hbm4b:s13+s29] =	stream.strided.scatter [tilespmem:s22], [sflag:$0x8], $0x2000, s30, s29, $0x38;
	[tilespmem:$0xB900] =	vst v63  }
0x5b: {  	_ =	swait.ge [sflag:s17], $0x2000  }
0x5c: {  	[sflag:s17] =	ssyncset.done $0x0  }
0x5d: {  	s12 =	simm.s32 $0x380;
	[sflag:s17] =	ssyncadd.s32 $0xFFFFE000  }
0x5e: {  	[tilespmem:s22], [sflag:$0x3] =	stream.indirect.gather [hbm4b:s3+s16], $0x40, s12, s16, $0xb8;
	[tilespmem:$0xB900] =	vst v63  }
0x5f: {  	_ =	swait.ge [sflag:s21], $0x2000  }
0x60: {  	[sflag:s21] =	ssyncset.done $0x0  }
0x61: {  	s9 =	rddreg [dreg:$0xb];
	[sflag:s21] =	ssyncadd.s32 $0xFFFFE000  }
0x62: {  	[hbm4b:s9+s29] =	stream.strided.scatter [tilespmem:s24], [sflag:$0x9], $0x2000, s30, s29, $0x38;
	[tilespmem:$0xB900] =	vst v63  }
0x63: {  	_ =	swait.ge [sflag:s23], $0x2000  }
0x64: {  	[sflag:s23] =	ssyncset.done $0x0  }
0x65: {  	s18 =	simm.s32 $0x400;
	[sflag:s23] =	ssyncadd.s32 $0xFFFFE000  }
0x66: {  	[tilespmem:s24], [sflag:$0x4] =	stream.indirect.gather [hbm4b:s3+s16], $0x40, s18, s16, $0xb8;
	[tilespmem:$0xB900] =	vst v63  }
0x67: {  	_ =	swait.ge [sflag:s25], $0x2000  }
0x68: {  	[sflag:s25] =	ssyncset.done $0x0  }
0x69: {  	s6 =	simm.s32 $0xA00;
	s12 =	rddreg [dreg:$0xa];
	[sflag:s25] =	ssyncadd.s32 $0xFFFFE000  }
0x6a: {  	[hbm4b:s12+s29] =	stream.strided.scatter [tilespmem:s26], [sflag:$0xA], $0x2000, s30, s29, $0x38;
	[tilespmem:$0xB900] =	vst v63  }
0x6b: {  	s7 =	sadd.s32 $0x28, s14;
	s8 =	sadd.s32 $0x28, s15;
	_ =	swait.ge [sflag:s4], $0x2000  }
0x6c: {  	s10 =	sadd.s32 $0x28, s13;
	s11 =	simm.s32 $0x480;
	[sflag:s4] =	ssyncset.done $0x0  }
0x6d: {  	s9 =	sadd.s32 $0x28, s9;
	s18 =	sadd.s32 $0x28, s12;
	[sflag:s4] =	ssyncadd.s32 $0xFFFFE000  }
.LBB2_4:
0x6e: {  	[tilespmem:s26], [sflag:$0x5] =	stream.indirect.gather [hbm4b:s3+s16], $0x40, s11, s16, $0xb8;
	[tilespmem:$0xB900] =	vst v63  }
0x6f: {  	s11 =	smov.u32 s6  }
0x70: {  	p0 =	sne.s32 s6, $0x5000;
	s6 =	sadd.s32 $0xA00, s6;
	_ =	swait.ge [sflag:s28], $0x2000  }
0x71: {  	[sflag:s28] =	ssyncset.done $0x0  }
0x72: {  	[sflag:s28] =	ssyncadd.s32 $0xFFFFE000  }
0x73: {  	[hbm4b:s8+s29] =	stream.strided.scatter [tilespmem:s19], [sflag:$0x6], $0x2000, s30, s29, $0x38;
	[tilespmem:$0xB900] =	vst v63  }
0x74: {  	_ =	swait.ge [sflag:s31], $0x2000  }
0x75: {  	s11 =	sshra.s32 s11, $0x2;
	[sflag:s31] =	ssyncset.done $0x0  }
0x76: {  	s12 =	sadd.s32 $0x280, s11;
	[sflag:s31] =	ssyncadd.s32 $0xFFFFE000  }
0x77: {  	[tilespmem:s19], [sflag:$0x1] =	stream.indirect.gather [hbm4b:s3+s16], $0x40, s12, s16, $0xb8;
	[tilespmem:$0xB900] =	vst v63  }
0x78: {  	_ =	swait.ge [sflag:s0], $0x2000  }
0x79: {  	[sflag:s0] =	ssyncset.done $0x0  }
0x7a: {  	[sflag:s0] =	ssyncadd.s32 $0xFFFFE000  }
0x7b: {  	[hbm4b:s7+s29] =	stream.strided.scatter [tilespmem:s20], [sflag:$0x7], $0x2000, s30, s29, $0x38;
	[tilespmem:$0xB900] =	vst v63  }
0x7c: {  	_ =	swait.ge [sflag:s1], $0x2000  }
0x7d: {  	[sflag:s1] =	ssyncset.done $0x0  }
0x7e: {  	s12 =	sadd.s32 $0x300, s11;
	[sflag:s1] =	ssyncadd.s32 $0xFFFFE000  }
0x7f: {  	[tilespmem:s20], [sflag:$0x2] =	stream.indirect.gather [hbm4b:s3+s16], $0x40, s12, s16, $0xb8;
	[tilespmem:$0xB900] =	vst v63  }
0x80: {  	_ =	swait.ge [sflag:s2], $0x2000  }
0x81: {  	[sflag:s2] =	ssyncset.done $0x0  }
0x82: {  	[sflag:s2] =	ssyncadd.s32 $0xFFFFE000  }
0x83: {  	[hbm4b:s10+s29] =	stream.strided.scatter [tilespmem:s22], [sflag:$0x8], $0x2000, s30, s29, $0x38;
	[tilespmem:$0xB900] =	vst v63  }
0x84: {  	_ =	swait.ge [sflag:s17], $0x2000  }
0x85: {  	[sflag:s17] =	ssyncset.done $0x0  }
0x86: {  	s12 =	sadd.s32 $0x380, s11;
	[sflag:s17] =	ssyncadd.s32 $0xFFFFE000  }
0x87: {  	[tilespmem:s22], [sflag:$0x3] =	stream.indirect.gather [hbm4b:s3+s16], $0x40, s12, s16, $0xb8;
	[tilespmem:$0xB900] =	vst v63  }
0x88: {  	_ =	swait.ge [sflag:s21], $0x2000  }
0x89: {  	[sflag:s21] =	ssyncset.done $0x0  }
0x8a: {  	[sflag:s21] =	ssyncadd.s32 $0xFFFFE000  }
0x8b: {  	[hbm4b:s9+s29] =	stream.strided.scatter [tilespmem:s24], [sflag:$0x9], $0x2000, s30, s29, $0x38;
	[tilespmem:$0xB900] =	vst v63  }
0x8c: {  	_ =	swait.ge [sflag:s23], $0x2000  }
0x8d: {  	[sflag:s23] =	ssyncset.done $0x0  }
0x8e: {  	s12 =	sadd.s32 $0x400, s11;
	[sflag:s23] =	ssyncadd.s32 $0xFFFFE000  }
0x8f: {  	[tilespmem:s24], [sflag:$0x4] =	stream.indirect.gather [hbm4b:s3+s16], $0x40, s12, s16, $0xb8;
	[tilespmem:$0xB900] =	vst v63  }
0x90: {  	_ =	swait.ge [sflag:s25], $0x2000  }
0x91: {  	[sflag:s25] =	ssyncset.done $0x0  }
.Ltmp1:
0x92: {  	[sflag:s25] =	ssyncadd.s32 $0xFFFFE000;
	(pc) =	sbr.rel @p0 .LBB2_4-.Ltmp1, $4  }
0x93: {  	[hbm4b:s18+s29] =	stream.strided.scatter [tilespmem:s26], [sflag:$0xA], $0x2000, s30, s29, $0x38;
	[tilespmem:$0xB900] =	vst v63  }
0x94: {  	s8 =	sadd.s32 $0x28, s8;
	s7 =	sadd.s32 $0x28, s7;
	_ =	swait.ge [sflag:s4], $0x2000  }
0x95: {  	s10 =	sadd.s32 $0x28, s10;
	s9 =	sadd.s32 $0x28, s9;
	[sflag:s4] =	ssyncset.done $0x0  }
0x96: {  	s11 =	sadd.s32 $0x480, s11;
	s18 =	sadd.s32 $0x28, s18;
	[sflag:s4] =	ssyncadd.s32 $0xFFFFE000  }
0x97: {  	[tilespmem:s26], [sflag:$0x5] =	stream.indirect.gather [hbm4b:s3+s16], $0x40, s11, s16, $0xb8;
	[tilespmem:$0xB900] =	vst v63  }
0x98: {  	_ =	swait.ge [sflag:s28], $0x2000  }
0x99: {  	[sflag:s28] =	ssyncset.done $0x0  }
0x9a: {  	s6 =	rddreg [dreg:$0x4];
	[sflag:s28] =	ssyncadd.s32 $0xFFFFE000  }
0x9b: {  	[hbm4b:s6+s29] =	stream.strided.scatter [tilespmem:s19], [sflag:$0x6], $0x2000, s30, s29, $0x38;
	[tilespmem:$0xB900] =	vst v63  }
0x9c: {  	_ =	swait.ge [sflag:s0], $0x2000  }
0x9d: {  	[sflag:s0] =	ssyncset.done $0x0  }
0x9e: {  	s9 =	rddreg [dreg:$0x5];
	[sflag:s0] =	ssyncadd.s32 $0xFFFFE000  }
0x9f: {  	[hbm4b:s9+s29] =	stream.strided.scatter [tilespmem:s20], [sflag:$0x7], $0x2000, s30, s29, $0x38;
	[tilespmem:$0xB900] =	vst v63  }
0xa0: {  	_ =	swait.ge [sflag:s2], $0x2000  }
0xa1: {  	[sflag:s2] =	ssyncset.done $0x0  }
0xa2: {  	s10 =	rddreg [dreg:$0x6];
	[sflag:s2] =	ssyncadd.s32 $0xFFFFE000  }
0xa3: {  	[hbm4b:s10+s29] =	stream.strided.scatter [tilespmem:s22], [sflag:$0x8], $0x2000, s30, s29, $0x38;
	[tilespmem:$0xB900] =	vst v63  }
0xa4: {  	_ =	swait.ge [sflag:s21], $0x2000  }
0xa5: {  	[sflag:s21] =	ssyncset.done $0x0  }
0xa6: {  	s11 =	rddreg [dreg:$0x7];
	[sflag:s21] =	ssyncadd.s32 $0xFFFFE000  }
0xa7: {  	[hbm4b:s11+s29] =	stream.strided.scatter [tilespmem:s24], [sflag:$0x9], $0x2000, s30, s29, $0x38;
	[tilespmem:$0xB900] =	vst v63  }
0xa8: {  	_ =	swait.ge [sflag:s25], $0x2000  }
0xa9: {  	[sflag:s25] =	ssyncset.done $0x0  }
0xaa: {  	s12 =	rddreg [dreg:$0x8];
	[sflag:s25] =	ssyncadd.s32 $0xFFFFE000  }
0xab: {  	[hbm4b:s12+s29] =	stream.strided.scatter [tilespmem:s26], [sflag:$0xA], $0x2000, s30, s29, $0x38;
	[tilespmem:$0xB900] =	vst v63  }
0xac: {  	_ =	swait.ge [sflag:s31], $0x2000  }
0xad: {  	[sflag:s31] =	ssyncset.done $0x0  }
0xae: {  	[sflag:s31] =	ssyncadd.s32 $0xFFFFE000  }
0xaf: {  	_ =	swait.ge [sflag:s1], $0x2000  }
0xb0: {  	[sflag:s1] =	ssyncset.done $0x0  }
0xb1: {  	[sflag:s1] =	ssyncadd.s32 $0xFFFFE000  }
0xb2: {  	_ =	swait.ge [sflag:s17], $0x2000  }
0xb3: {  	[sflag:s17] =	ssyncset.done $0x0  }
0xb4: {  	[sflag:s17] =	ssyncadd.s32 $0xFFFFE000  }
0xb5: {  	_ =	swait.ge [sflag:s23], $0x2000  }
0xb6: {  	[sflag:s23] =	ssyncset.done $0x0  }
0xb7: {  	[sflag:s23] =	ssyncadd.s32 $0xFFFFE000  }
0xb8: {  	_ =	swait.ge [sflag:s4], $0x2000  }
0xb9: {  	s5 =	sadd.s32 $0x1, s5;
	s18 =	rddreg [dreg:$0x9]  }
0xba: {  	p0 =	sne.s32 s5, s18  }
.Ltmp2:
0xbb: {  	_ = 	snop;
	(pc) =	sbr.rel @p0 .LBB2_1-.Ltmp2, $3  }
0xbc: {  	_ =	sdelay $0x1  }
0xbd: {  	[sflag:s4] =	ssyncset.done $0x0  }
0xbe: {  	[sflag:s4] =	ssyncadd.s32 $0xFFFFE000  }
0xbf: {  	_ =	sfence.sel $0x180000  }
0xc0: {  	[bflag:$0x0] =	sbarrier.arrive $0xFFFF  }
0xc1: {  	_ =	strace $0x9000004A  }
0xc2: {  	s0 =	stileid.u32;
	[bflag:$0x2] =	sbarrier.arrive $0xFFFF  }
0xc3: {  	p0 =	sne.s32 s0, $0x0;
	s0 =	rddreg [dreg:$0x2]  }
0xc4: {  	s0 =	sadd.s32 @!p0 $0x100000, s0  }
0xc5: {  	[sflag:s0] =	ssyncadd.tile.s32 @!p0 $0x1;
	_ =	shalt  }
.Lfunc_end2:
_tile_overlayer_lowered:
.L_overlay_start_2:
0xc6: {  	(tag) =	ssettag $0x2  }
0xc7: {  	s0 =	rddreg [dreg:$0x0];
	s2 =	stileid.u32  }
0xc8: {  	s1 =	rddreg [dreg:$0x1];
	p0 =	sne.s32 s2, $0x0  }
0xc9: {  	s3 =	rddreg [dreg:$0x2];
	[bflag:$0x3] =	sbarrier.arrive $0xFFFF;
	s2 =	simm.s32 @!p0 $0x1C0B  }
0xca: {  	[timem:s3], [sflag:s2] =	dma.local @!p0 [hbm:s0], s1  }
0xcb: {  	s0 =	simm.s32 @!p0 $0xB  }
0xcc: {  	_ =	swait.ge @!p0 [sflag:s0], s1  }
0xcd: {  	s1 =	ssub.s32 @!p0 $0x0, s1;
	[sflag:s0] =	ssyncset.done @!p0 $0x0  }
0xce: {  	[sflag:s0] =	ssyncadd.s32 @!p0 s1  }
0xcf: {  	[bflag:$0x3] =	sbarrier.arrive $0xFFFF  }
0xd0: {  	_ =	shalt  }

// kernel: sparse-core-data-format-call.1.cloned.1.call-start
scs
called_computation.1_lowered:
.L_overlay_start_0:
0x0: {  	s2 =	sld [smem:$0x3FD9]  }
0x1: {  	s3 =	sld [smem:$0x3FFE];
	_ =	sdelay $0x1  }
0x2: {  	s1 =	srdreg.scid  }
0x3: {  	s0 =	sand.u32 $0x1, s1  }
0x4: {  	s18 =	sshll.u32 s0, $0xA;
	s2 =	sadd.s32 s3, s2  }
0x5: {  	s2 =	sadd.s32 s2, s18  }
0x6: {  	[smem:$0x3FC6] =	sst s2  }
0x7: {  	_ = 	snop  }
0x8: {  	s2 =	sld [smem:$0x3FC8];
	(tm) =	ssettm $0x1  }
0x9: {  	s19 =	sld [smem:$0x3FFB];
	_ =	sdelay $0x3  }
0xa: {  	_ =	strace s19  }
0xb: {  	s3 =	sld [smem:$0x3FFC];
	_ =	sdelay $0x3  }
0xc: {  	_ =	strace s3  }
0xd: {  	s3 =	sld [smem:$0x3FFD];
	_ =	sdelay $0x3  }
0xe: {  	_ =	strace s3  }
0xf: {  	_ =	strace $0x8FFFFFFF  }
0x10: {  	s20 =	sld [smem:$0x3FDB];
	_ =	sdelay $0x1  }
0x11: {  	s4 =	simm.s32 $_scs_section_size  }
0x12: {  	s5 =	simm.s32 $_size__tile_overlayer_lowered;
	s6 =	simm.s32 $_tile_overlayer_lowered  }
0x13: {  	s23 =	simm.s32 $0x1BFF;
	s22 =	sshll.u32 s6, $0x1;
	s3 =	sadd.s32 s4, s20  }
0x14: {  	s7 =	simm.s32 $0x0;
	s21 =	sshll.u32 s5, $0x1;
	s5 =	sadd.s32 s22, s3  }
0x15: {  	[timem:s7], [sflag:s23] =	dma.local [hbm:s5], s21  }
0x16: {  	_ =	swait.ge [sflag:s23], s21  }
0x17: {  	s4 =	ssub.s32 $0x0, s21;
	[sflag:s23] =	ssyncset.done $0x0  }
0x18: {  	[sflag:s23] =	ssyncadd.s32 s4;
	_ =	sdelay $0x1  }
0x19: {  	s24 =	simm.s32 $0x1B8B  }
0x1a: {  	_ =	swait.ge [sflag:s24], $0x1  }
0x1b: {  	[sflag:s24] =	ssyncset.done $0x0  }
0x1c: {  	s26 =	simm.s32 $0x1B8E;
	s25 =	sld [smem:$0x3FFE];
	[sflag:s24] =	ssyncadd.s32 $0xFFFFFFFF  }
0x1d: {  	s27 =	simm.s32 $execute0_lowered;
	[smem:$0x3FD2] =	sst s26  }
0x1e: {  	s5 =	sshll.u32 s27, $0x1;
	_ =	strace $0x80000046;
	[dreg:$0x1] =	wrdreg $0xFFFFFFFF  }
0x1f: {  	s28 =	simm.s32 $_size_execute0_lowered;
	s3 =	sadd.s32 s3, s5;
	[dreg:$0x0] =	wrdreg $0x0  }
0x20: {  	s5 =	sshll.u32 s28, $0x1;
	[dreg:$0x2] =	wrdreg s3  }
0x21: {  	[dreg:$0x3] =	wrdreg s5  }
0x22: {  	[dreg:$0x4] =	wrdreg $0xC0  }
0x23: {  	_ =	task [dreg:s7], $0x5FFFF  }
0x24: {  	[dreg:$0x1] =	wrdreg $0xFFFFFFFF  }
0x25: {  	[dreg:$0x0] =	wrdreg $0x60  }
0x26: {  	[dreg:$0x2] =	wrdreg s2  }
0x27: {  	[dreg:$0x3] =	wrdreg s25  }
0x28: {  	[dreg:$0x4] =	wrdreg $0x9  }
0x29: {  	_ =	task.clear_ibuf [dreg:s7], $0x5FFFF;
	_ =	strace $0x90000046  }
0x2a: {  	s29 =	simm.s32 $0x9;
	_ =	strace $0x80000048  }
0x2b: {  	_ =	swait.ge [sflag:s29], $0x1  }
0x2c: {  	[sflag:s29] =	ssyncadd.s32 $0xFFFFFFFF  }
0x2d: {  	_ =	strace $0x90000048  }
0x2e: {  	_ =	sfence  }
0x2f: {  	s30 =	sld [smem:$0x0];
	_ =	sdelay $0x2  }
0x30: {  	s31 =	sshll.u32 s1, $0xD;
	s1 =	sshrl.u32 s1, $0x2  }
0x31: {  	s3 =	sand.u32 $0x4000, s31;
	s1 =	sadd.s32 s1, s30  }
0x32: {  	s0 =	sor.u32 s3, s0;
	s1 =	sshll.u32 s1, $0x11  }
0x33: {  	s0 =	sor.u32 s1, s0  }
0x34: {  	s0 =	sadd.s32 $0x8F2B, s0  }
0x35: {  	[sflag:s0] =	ssyncadd.remote.s32 $0x1  }
0x36: {  	_ =	sfence.sel $0xFFFF  }
0x37: {  	[dreg:$0x0] =	wrdreg $0xFFFFFFFF;
	(pc) =	sbr.abs _section_cstart, $3  }
0x38: {  	[dreg:$0x1] =	wrdreg $0xFFFFFFFF  }
0x39: {  	_ =	task.clear_ibuf [dreg:s7], $0x2FFFF;
	_ =	strace $0x9FFFFFFF  }
0x3a: {  	(tm) =	ssettm $0x7FFFFFFF  }
0x3b: {  	_ =	shalt  }
tec
execute0_lowered:
.L_overlay_start_1:
0x0: {  	(tag) =	ssettag $0x1  }
0x1: {  	s0 =	srdreg.scid;
	s2 =	rddreg [dreg:$0x0]  }
0x2: {  	s5 =	rddreg [dreg:$0x1];
	s1 =	stileid.u32  }
0x3: {  	s4 =	simm.s32 $0x1;
	s6 =	simm.s32 $0x2;
	s15 =	simm.s32 $0x0  }
0x4: {  	p0 =	por $0x0, $0x0;
	s8 =	simm.s32 $0x80;
	s0 =	sshll.u32 s0, $0x4  }
0x5: {  	s14 =	simm.s32 $0x0;
	s9 =	simm.s32 $0x0;
	s3 =	sand.u32 $0x10, s0  }
.Ltmp0:
0x6: {  	s10 =	simm.s32 $0x0;
	s3 =	sor.u32 s1, s3;
	(pc) =	sbr.rel .LBB1_1-.Ltmp0, $4  }
0x7: {  	s0 =	rddreg [dreg:$0x2];
	_ =	strace $0x80000047;
	s3 =	sshll.u32 s3, $0x7  }
0x8: {  	s12 =	simm.s32 $0x0;
	[sflag:s4] =	ssyncpa.u1 $0x0;
	s7 =	ssub.s32 $0xF4200, s3  }
0x9: {  	s13 =	simm.s32 $0x0;
	[sflag:s6] =	ssyncpa.u1 $0x0;
	s6 =	sshrl.u32 s7, $0xC  }
0xa: {  	s5 =	sadd.s32 $0xE00, s5;
	s11 =	smov.u32 s3;
	s7 =	sadd.s32 $0x2, s6  }
.LBB1_5:
0xb: {  	p1 =	slt.u32 s13, $0x2  }
0xc: {  	s17 =	smov.u32 s15;
	p2 =	sgt.s32 @!p1 s15, $0xF41C0;
	s16 =	sshra.s32 @!p1 s15, $0x1F  }
0xd: {  	p3 =	sgt.s32 @!p1 s14, $0x40;
	s18 =	sshra.s32 @!p1 s14, $0x1F;
	p2 =	por !p2, p1  }
0xe: {  	s15 =	sand.u32 @!p1 s16, s15;
	p3 =	por !p3, p1;
	s16 =	smov.u32 s14  }
0xf: {  	s14 =	sand.u32 @!p1 s18, s14;
	s17 =	simm.s32 @p2 $0xF41C0;
	s16 =	simm.s32 @p3 $0x40  }
0x10: {  	s15 =	ssub.s32 @!p1 s17, s15;
	s14 =	ssub.s32 @!p1 s16, s14  }
0x11: {  	s18 =	smov.u32 s12;
	s16 =	sadd.s32 @!p1 $0xFFF0BE40, s15;
	s17 =	sadd.s32 @!p1 $0xFFFFFFC0, s14  }
0x12: {  	s15 =	ssub.s32 @!p1 $0xF4240, s15;
	p2 =	sgt.s32 @!p1 s16, $0x7F;
	p3 =	sgt.s32 @!p1 s17, $0x3F  }
0x13: {  	s14 =	ssub.s32 @!p1 $0x80, s14;
	p2 =	por !p2, p1;
	p3 =	por !p3, p1  }
0x14: {  	s16 =	sadd.s32 $0x1000, s11;
	s15 =	simm.s32 @!p2 $0x0;
	s14 =	simm.s32 @!p3 $0x0  }
0x15: {  	p2 =	sgt.s32 s16, $0xF423F;
	s14 =	smul.u32 @!p1 s14, s15;
	s15 =	sadd.s32 $0x40, s12  }
0x16: {  	s18 =	smov.u32 @p2 s15  }
0x17: {  	s16 =	smov.u32 @p2 s3;
	p2 =	sgt.s32 s18, $0x3F  }
0x18: {  	s18 =	simm.s32 @p2 $0x0;
	p2 =	sne.s32 s13, s7  }
.Ltmp1:
0x19: {  	p0 =	por !p0, !p0;
	s17 =	simm.s32 @!p1 $0x2;
	(pc) =	sbr.rel @!p2 .LBB1_6-.Ltmp1, $4  }
0x1a: {  	s15 =	smov.u32 s9;
	s9 =	smov.u32 s11;
	s14 =	sand.u32 @!p1 $0x3FFFFFFF, s14  }
0x1b: {  	s11 =	smov.u32 s16;
	_ =	swait.ge @!p1 [sflag:s17], s14;
	s19 =	ssub.s32 @!p1 $0x0, s14  }
0x1c: {  	s14 =	smov.u32 s10;
	s13 =	sadd.s32 $0x1, s13;
	[sflag:s17] =	ssyncset.done @!p1 $0x0  }
0x1d: {  	s10 =	smov.u32 s12;
	s12 =	smov.u32 s18;
	[sflag:s17] =	ssyncadd.s32 @!p1 s19  }
.LBB1_1:
0x1e: {  	p1 =	sgt.u32 s13, s6  }
0x1f: {  	s16 =	sshrl.u32 @!p1 s12, $0x3  }
0x20: {  	s17 =	sshll.u32 @!p1 s11, $0x3;
	s16 =	smul.u32 @!p1 $0x7A1400, s16  }
0x21: {  	s18 =	sshll.u32 @!p1 s12, $0x7;
	s17 =	sand.u32 @!p1 $0xFFFFFC00, s17  }
0x22: {  	s16 =	sadd.s32 @!p1 s16, s17;
	s17 =	sand.u32 @!p1 $0x380, s18  }
0x23: {  	s18 =	sand.u32 @!p1 $0x7F, s11;
	s16 =	sor.u32 @!p1 s17, s16  }
0x24: {  	s17 =	sor.u32 @!p1 s18, s16  }
0x25: {  	s18 =	smulhi.u32 @!p1 $0x218D6287, s17;
	_ =	sdelay $0x1  }
0x26: {  	s16 =	smulhi.u32 @!p1 $0x218D6287, s16;
	s18 =	sshrl.u32 @!p1 s18, $0x11  }
0x27: {  	s18 =	smul.u32 @!p1 $0xF4280, s18  }
0x28: {  	s19 =	sxor.u32 @!p1 $0xFFFFFFFF, s13;
	s16 =	sshrl.u32 @!p1 s16, $0x11  }
0x29: {  	s19 =	sshll.u32 @!p1 s19, $0xD;
	s16 =	sand.u32 @!p1 $0x3F, s16;
	s17 =	ssub.s32 @!p1 s17, s18  }
0x2a: {  	s16 =	smul.u32 @!p1 $0x1E850, s16;
	s18 =	sshrl.u32 @!p1 s17, $0x3;
	s17 =	sand.u32 @!p1 $0x7, s17  }
0x2b: {  	s19 =	sand.u32 @!p1 $0x2000, s19;
	s18 =	sadd.s32 @!p1 s2, s18;
	s17 =	sshll.u32 @!p1 s17, $0x12  }
0x2c: {  	s16 =	sadd.s32 @!p1 s16, s18;
	s17 =	sor.u32 @!p1 $0x400, s17;
	s18 =	simm.s32 @!p1 $0x7A1400  }
0x2d: {  	[tilespmem:s19], [sflag:$0x1] =	stream.strided.gather @!p1 [hbm4b:s16+s17], $0x2000, s18, s17, $0x38;
	[tilespmem:$0x8100] =	vst v63  }
0x2e: {  	p1 =	seq.s32 s13, $0x0  }
0x2f: {  	p2 =	sge.u32 @!p1 s13, s7  }
0x30: {  	p1 =	por p1, p2  }
.Ltmp2:
0x31: {  	_ = 	snop;
	(pc) =	sbr.rel @p1 .LBB1_5-.Ltmp2, $1  }
0x32: {  	_ =	sdelay $0x3  }
0x33: {  	s16 =	simm.s32 $0x1  }
0x34: {  	_ =	swait.ge [sflag:s4], $0x2000;
	s16 =	simm.s32 @!p0 $0x0  }
0x35: {  	[sflag:s4] =	ssyncset.done $0x0;
	s17 =	sshll.u32 s16, $0xD  }
0x36: {  	[sflag:s4] =	ssyncadd.s32 $0xFFFFE000;
	s17 =	sor.u32 $0x40, s17  }
0x37: {  	s16 =	smul.u32 $0x8200, s16;
	v0 =	vld [tilespmem:s17+$0x30]  }
0x38: {  	v1 =	vld [tilespmem:s17+$0xFFFFFFD0]  }
0x39: {  	s16 =	sshrl.u32 s16, $0x2;
	v5 =	vld [tilespmem:s17+$0xFFFFFFE0]  }
0x3a: {  	v6 =	vld [tilespmem:s17+$0xFFFFFFF0];
	s19 =	sor.u32 $0x4000, s16  }
0x3b: {  	s31 =	sand.u32 $0x1, s13;
	v4 =	vld [tilespmem:s17+$0x0];
	s18 =	sadd.s32 $0x0, s19  }
0x3c: {  	v3 =	vld [tilespmem:s17+$0x10];
	s16 =	smul.u32 $0x8200, s31;
	[tilespmem:s18+$0x1C70 ss:$0x41] =	vst.msk $0xffff, v0  }
0x3d: {  	v2 =	vld [tilespmem:s17+$0x20];
	[tilespmem:s18+$0x410 ss:$0x41] =	vst.msk $0xffff, v1  }
0x3e: {  	s16 =	sshrl.u32 s16, $0x2;
	v1 =	vld [tilespmem:s17+$0xFFFFFFC0];
	[tilespmem:s18+$0x820 ss:$0x41] =	vst.msk $0xffff, v5;
	s17 =	sadd.s32 $0x80, s17  }
0x3f: {  	s20 =	simm.s32 $0x4;
	s21 =	simm.s32 $0x8;
	s16 =	sor.u32 $0x4000, s16;
	[tilespmem:s18+$0xC30 ss:$0x41] =	vst.msk $0xffff, v6;
	v0 =	vld [tilespmem:s17+$0x30]  }
.LBB1_3:
0x40: {  	p1 =	sne.s32 s21, $0xFC;
	v5 =	vld [tilespmem:s17+$0xFFFFFFD0];
	[tilespmem:s18+$0x1040 ss:$0x41] =	vst.msk $0xffff, v4  }
0x41: {  	v6 =	vld [tilespmem:s17+$0xFFFFFFE0];
	[tilespmem:s18+$0x1450 ss:$0x41] =	vst.msk $0xffff, v3  }
0x42: {  	s22 =	sshra.s32 s20, $0x2;
	s20 =	smov.u32 s21;
	v7 =	vld [tilespmem:s17+$0xFFFFFFF0];
	[tilespmem:s18+$0x1860 ss:$0x41] =	vst.msk $0xffff, v2  }
.Ltmp3:
0x43: {  	v4 =	vld [tilespmem:s17+$0x0];
	[tilespmem:s18+$0x0 ss:$0x41] =	vst.msk $0xffff, v1;
	s18 =	sadd.s32 s22, s19;
	(pc) =	sbr.rel @p1 .LBB1_3-.Ltmp3, $4  }
0x44: {  	v3 =	vld [tilespmem:s17+$0x10];
	[tilespmem:s18+$0x1C70 ss:$0x41] =	vst.msk $0xffff, v0  }
0x45: {  	[tilespmem:s18+$0x410 ss:$0x41] =	vst.msk $0xffff, v5;
	v2 =	vld [tilespmem:s17+$0x20]  }
0x46: {  	v1 =	vld [tilespmem:s17+$0xFFFFFFC0];
	[tilespmem:s18+$0x820 ss:$0x41] =	vst.msk $0xffff, v6;
	s17 =	sadd.s32 $0x80, s17  }
0x47: {  	s21 =	sadd.s32 $0x4, s21;
	v0 =	vld [tilespmem:s17+$0x30];
	[tilespmem:s18+$0xC30 ss:$0x41] =	vst.msk $0xffff, v7  }
0x48: {  	s21 =	sshll.u32 s9, $0x7;
	s22 =	sshll.u32 s10, $0x3;
	s20 =	sshra.s32 s20, $0x2  }
0x49: {  	p1 =	sgt.s32 s9, $0xF41C0;
	s30 =	sshra.s32 s9, $0x1F;
	s25 =	sshra.s32 s10, $0x1F  }
0x4a: {  	v5 =	vld [tilespmem:s17+$0xFFFFFFD0];
	s28 =	sshrl.u32 s10, $0x3;
	s23 =	sand.u32 $0xFFFFFC00, s21;
	s22 =	sand.u32 $0xFFFFFC00, s22  }
0x4b: {  	[tilespmem:s18+$0x1040 ss:$0x41] =	vst.msk $0xffff, v4;
	v58 =	vld [tilespmem:s17+$0xFFFFFFE0];
	s21 =	sand.u32 $0x380, s21;
	s19 =	sadd.s32 s20, s19;
	s22 =	sadd.s32 s22, s23  }
0x4c: {  	v59 =	vld [tilespmem:s17+$0xFFFFFFF0];
	[tilespmem:s18+$0x1450 ss:$0x41] =	vst.msk $0xffff, v3;
	s29 =	sor.u32 s21, s22;
	s21 =	smov.u32 s9;
	s22 =	sand.u32 s30, s9  }
0x4d: {  	v60 =	vld [tilespmem:s17+$0x0];
	[tilespmem:s18+$0x1860 ss:$0x41] =	vst.msk $0xffff, v2;
	s30 =	sand.u32 $0x7, s10;
	s20 =	sshrl.u32 s29, $0x7;
	s21 =	simm.s32 @!p1 $0xF41C0  }
0x4e: {  	v61 =	vld [tilespmem:s17+$0x10];
	[tilespmem:s18+$0x0 ss:$0x41] =	vst.msk $0xffff, v1;
	p1 =	sgt.s32 s10, $0x40;
	s24 =	ssub.s32 s21, s22;
	s21 =	smov.u32 s10  }
0x4f: {  	v62 =	vld [tilespmem:s17+$0x20];
	[tilespmem:s19+$0x1C70 ss:$0x41] =	vst.msk $0xffff, v0;
	s31 =	smulhi.u32 $0x218DEF5, s20;
	s22 =	sand.u32 s25, s10;
	s21 =	simm.s32 @!p1 $0x40  }
0x50: {  	v63 =	vld [tilespmem:s17+$0xFFFFFFC0];
	[tilespmem:s19+$0x410 ss:$0x41] =	vst.msk $0xffff, v5;
	s26 =	sadd.s32 $0xFFF0BE40, s24;
	s17 =	ssub.s32 $0xF4240, s24;
	s21 =	ssub.s32 s21, s22  }
0x51: {  	[tilespmem:s19+$0x820 ss:$0x41] =	vst.msk $0xffff, v58;
	s23 =	sshrl.u32 s31, $0xD;
	p1 =	sgt.s32 s26, $0x7F;
	s27 =	sadd.s32 $0xFFFFFFC0, s21  }
0x52: {  	[tilespmem:s19+$0xC30 ss:$0x41] =	vst.msk $0xffff, v59;
	s23 =	smul.u32 $0xF4240, s23;
	s18 =	ssub.s32 $0x80, s21;
	p2 =	sgt.s32 s27, $0x3F  }
.Ltmp4:
0x53: {  	[tilespmem:s19+$0x1040 ss:$0x41] =	vst.msk $0xffff, v60;
	s17 =	simm.s32 @p1 $0x0;
	s18 =	simm.s32 @p2 $0x0;
	(pc) =	sbr.rel .LBB1_5-.Ltmp4, $4  }
0x54: {  	s29 =	sand.u32 $0xF, s28;
	[tilespmem:s19+$0x1450 ss:$0x41] =	vst.msk $0xffff, v61;
	s20 =	ssub.s32 s20, s23;
	s17 =	smul.u32 s18, s17  }
0x55: {  	[tilespmem:s19+$0x1860 ss:$0x41] =	vst.msk $0xffff, v62;
	s21 =	sshll.u32 s30, $0x12;
	s20 =	sshll.u32 s20, $0x4;
	s18 =	sadd.s32 s5, s29  }
0x56: {  	[tilespmem:s19+$0x0 ss:$0x41] =	vst.msk $0xffff, v63;
	s31 =	sor.u32 $0x40, s21;
	s18 =	sadd.s32 s20, s18;
	s17 =	sand.u32 $0x3FFFFFFF, s17  }
0x57: {  	[hbm4b:s18+s31] =	stream.strided.scatter [tilespmem:s16], [sflag:$0x2], s17, s8, s31, $0x18;
	[tilespmem:$0x8100] =	vst v63  }
.LBB1_6:
0x58: {  	_ =	sfence.sel $0x180000  }
0x59: {  	s2 =	simm.s32 $0x1;
	[bflag:$0x0] =	sbarrier.arrive $0xFFFF  }
0x5a: {  	s31 =	simm.s32 $0x2;
	[sflag:s2] =	ssyncpa.u1 $0x1  }
0x5b: {  	[sflag:s31] =	ssyncpa.u1 $0x1  }
0x5c: {  	p0 =	sne.s32 s1, $0x0;
	_ =	strace $0x90000047  }
0x5d: {  	s0 =	sadd.s32 @!p0 $0x100000, s0;
	[bflag:$0x2] =	sbarrier.arrive $0xFFFF  }
0x5e: {  	[sflag:s0] =	ssyncadd.tile.s32 @!p0 $0x1;
	_ =	shalt  }
.Lfunc_end1:
_tile_overlayer_lowered:
.L_overlay_start_2:
0x5f: {  	(tag) =	ssettag $0x2  }
0x60: {  	s0 =	rddreg [dreg:$0x0];
	s2 =	stileid.u32  }
0x61: {  	s1 =	rddreg [dreg:$0x1];
	p0 =	sne.s32 s2, $0x0  }
0x62: {  	s3 =	rddreg [dreg:$0x2];
	[bflag:$0x3] =	sbarrier.arrive $0xFFFF;
	s2 =	simm.s32 @!p0 $0x1C01  }
0x63: {  	[timem:s3], [sflag:s2] =	dma.local @!p0 [hbm:s0], s1  }
0x64: {  	s0 =	simm.s32 @!p0 $0x1  }
0x65: {  	_ =	swait.ge @!p0 [sflag:s0], s1  }
0x66: {  	s1 =	ssub.s32 @!p0 $0x0, s1;
	[sflag:s0] =	ssyncset.done @!p0 $0x0  }
0x67: {  	[sflag:s0] =	ssyncadd.s32 @!p0 s1  }
0x68: {  	[bflag:$0x3] =	sbarrier.arrive $0xFFFF  }
0x69: {  	_ =	shalt  }

// kernel: sparse-core-data-format-call.cloned.1.call-start
scs
called_computation_lowered:
.L_overlay_start_0:
0x0: {  	s2 =	sld [smem:$0x3FD9]  }
0x1: {  	s3 =	sld [smem:$0x3FFE];
	_ =	sdelay $0x1  }
0x2: {  	s1 =	srdreg.scid  }
0x3: {  	s0 =	sand.u32 $0x1, s1  }
0x4: {  	s18 =	sshll.u32 s0, $0xA;
	s2 =	sadd.s32 s3, s2  }
0x5: {  	s2 =	sadd.s32 s2, s18  }
0x6: {  	[smem:$0x3FC6] =	sst s2  }
0x7: {  	_ = 	snop  }
0x8: {  	s2 =	sld [smem:$0x3FD0];
	(tm) =	ssettm $0x1  }
0x9: {  	s19 =	sld [smem:$0x3FFB];
	_ =	sdelay $0x3  }
0xa: {  	_ =	strace s19  }
0xb: {  	s3 =	sld [smem:$0x3FFC];
	_ =	sdelay $0x3  }
0xc: {  	_ =	strace s3  }
0xd: {  	s3 =	sld [smem:$0x3FFD];
	_ =	sdelay $0x3  }
0xe: {  	_ =	strace s3  }
0xf: {  	_ =	strace $0x8FFFFFFF  }
0x10: {  	s20 =	sld [smem:$0x3FDB];
	_ =	sdelay $0x1  }
0x11: {  	s4 =	simm.s32 $_scs_section_size  }
0x12: {  	s5 =	simm.s32 $_size__tile_overlayer_lowered;
	s6 =	simm.s32 $_tile_overlayer_lowered  }
0x13: {  	s23 =	simm.s32 $0x1BFF;
	s22 =	sshll.u32 s6, $0x1;
	s3 =	sadd.s32 s4, s20  }
0x14: {  	s7 =	simm.s32 $0x0;
	s21 =	sshll.u32 s5, $0x1;
	s5 =	sadd.s32 s22, s3  }
0x15: {  	[timem:s7], [sflag:s23] =	dma.local [hbm:s5], s21  }
0x16: {  	_ =	swait.ge [sflag:s23], s21  }
0x17: {  	s4 =	ssub.s32 $0x0, s21;
	[sflag:s23] =	ssyncset.done $0x0  }
0x18: {  	[sflag:s23] =	ssyncadd.s32 s4;
	_ =	sdelay $0x1  }
0x19: {  	s24 =	simm.s32 $0x1B8B  }
0x1a: {  	_ =	swait.ge [sflag:s24], $0x1  }
0x1b: {  	[sflag:s24] =	ssyncset.done $0x0  }
0x1c: {  	s26 =	simm.s32 $0x1B8E;
	s25 =	sld [smem:$0x3FFE];
	[sflag:s24] =	ssyncadd.s32 $0xFFFFFFFF  }
0x1d: {  	s27 =	simm.s32 $execute0_lowered;
	[smem:$0x3FD2] =	sst s26  }
0x1e: {  	s5 =	sshll.u32 s27, $0x1;
	_ =	strace $0x8000004C;
	[dreg:$0x1] =	wrdreg $0xFFFFFFFF  }
0x1f: {  	s28 =	simm.s32 $_size_execute0_lowered;
	s3 =	sadd.s32 s3, s5;
	[dreg:$0x0] =	wrdreg $0x0  }
0x20: {  	s5 =	sshll.u32 s28, $0x1;
	[dreg:$0x2] =	wrdreg s3  }
0x21: {  	[dreg:$0x3] =	wrdreg s5  }
0x22: {  	[dreg:$0x4] =	wrdreg $0xC0  }
0x23: {  	_ =	task [dreg:s7], $0x5FFFF  }
0x24: {  	[dreg:$0x1] =	wrdreg $0xFFFFFFFF  }
0x25: {  	[dreg:$0x0] =	wrdreg $0x60  }
0x26: {  	[dreg:$0x2] =	wrdreg s25  }
0x27: {  	[dreg:$0x3] =	wrdreg s2  }
0x28: {  	[dreg:$0x4] =	wrdreg $0x9  }
0x29: {  	_ =	task.clear_ibuf [dreg:s7], $0x5FFFF;
	_ =	strace $0x9000004C  }
0x2a: {  	s29 =	simm.s32 $0x9;
	_ =	strace $0x8000004E  }
0x2b: {  	_ =	swait.ge [sflag:s29], $0x1  }
0x2c: {  	[sflag:s29] =	ssyncadd.s32 $0xFFFFFFFF  }
0x2d: {  	_ =	strace $0x9000004E  }
0x2e: {  	_ =	sfence  }
0x2f: {  	s30 =	sld [smem:$0x0];
	_ =	sdelay $0x2  }
0x30: {  	s31 =	sshll.u32 s1, $0xD;
	s1 =	sshrl.u32 s1, $0x2  }
0x31: {  	s3 =	sand.u32 $0x4000, s31;
	s1 =	sadd.s32 s1, s30  }
0x32: {  	s0 =	sor.u32 s3, s0;
	s1 =	sshll.u32 s1, $0x11  }
0x33: {  	s0 =	sor.u32 s1, s0  }
0x34: {  	s0 =	sadd.s32 $0x8F2B, s0  }
0x35: {  	[sflag:s0] =	ssyncadd.remote.s32 $0x1  }
0x36: {  	_ =	sfence.sel $0xFFFF  }
0x37: {  	[dreg:$0x0] =	wrdreg $0xFFFFFFFF;
	(pc) =	sbr.abs _section_cstart, $3  }
0x38: {  	[dreg:$0x1] =	wrdreg $0xFFFFFFFF  }
0x39: {  	_ =	task.clear_ibuf [dreg:s7], $0x2FFFF;
	_ =	strace $0x9FFFFFFF  }
0x3a: {  	(tm) =	ssettm $0x7FFFFFFF  }
0x3b: {  	_ =	shalt  }
tec
execute0_lowered:
.L_overlay_start_1:
0x0: {  	(tag) =	ssettag $0x1  }
0x1: {  	s0 =	srdreg.scid  }
0x2: {  	s1 =	sshll.u32 s0, $0x4  }
0x3: {  	s0 =	stileid.u32;
	s1 =	sand.u32 $0x10, s1  }
0x4: {  	s1 =	sor.u32 s0, s1  }
0x5: {  	s6 =	rddreg [dreg:$0x0];
	s4 =	simm.s32 $0x1;
	s2 =	sshll.u32 s1, $0x7  }
0x6: {  	s7 =	simm.s32 $0x2;
	s12 =	simm.s32 $0x0;
	s1 =	ssub.s32 $0x1000, s2  }
0x7: {  	s8 =	simm.s32 $0x8000;
	s13 =	simm.s32 $0x0;
	s3 =	sand.u32 $0xF80, s1  }
0x8: {  	s9 =	simm.s32 $0x0;
	s5 =	sshrl.u32 s1, $0xC;
	p0 =	sne.s32 s3, $0x0  }
.Ltmp0:
0x9: {  	s1 =	rddreg [dreg:$0x2];
	s4 =	simm.s32 @!p0 $0x0;
	(pc) =	sbr.rel .LBB1_1-.Ltmp0, $4  }
0xa: {  	s11 =	simm.s32 $0x0;
	s3 =	rddreg [dreg:$0x1];
	s5 =	sadd.s32 s4, s5  }
0xb: {  	_ =	strace $0x8000004D;
	s4 =	simm.s32 $0x1;
	s5 =	smul.u32 $0x32, s5  }
0xc: {  	s6 =	sadd.s32 $0xE00, s6;
	s10 =	smov.u32 s2;
	[sflag:s4] =	ssyncpa.u1 $0x0  }
0xd: {  	p0 =	por $0x0, $0x0;
	[sflag:s7] =	ssyncpa.u1 $0x0;
	s7 =	sor.u32 $0x1, s5  }
.LBB1_4:
0xe: {  	s16 =	sshll.u32 s13, $0x3;
	s17 =	sand.u32 $0x78, s13  }
0xf: {  	s30 =	sand.u32 $0x7E00, s13;
	s12 =	sshll.u32 s12, $0xF;
	s16 =	sand.u32 $0xC00, s16  }
0x10: {  	[tilespmem:s15+$0x810 ss:$0x81] =	vst.msk $0xffff, v2;
	s31 =	sand.u32 $0x7, s13;
	s16 =	sor.u32 s17, s16;
	s17 =	sadd.s32 s3, s30  }
0x11: {  	[tilespmem:s15+$0x1020 ss:$0x81] =	vst.msk $0xffff, v0;
	s13 =	sshll.u32 s31, $0x12;
	s12 =	sadd.s32 s12, s17;
	s16 =	sshrl.u32 s16, $0x3  }
0x12: {  	[tilespmem:s15+$0x0 ss:$0x81] =	vst.msk $0xffff, v1;
	s13 =	sor.u32 $0x400, s13;
	s12 =	sadd.s32 s16, s12  }
0x13: {  	[hbm4b:s12+s13] =	stream.strided.scatter [tilespmem:s14], [sflag:$0x2], $0x2000, s8, s13, $0x20;
	[tilespmem:$0x8080] =	vst v63  }
.LBB1_5:
0x14: {  	s14 =	sadd.s32 $0x1, s9  }
0x15: {  	s12 =	sadd.s32 $0x1000, s10;
	s16 =	smov.u32 s10;
	p2 =	sgt.s32 s14, $0x31  }
0x16: {  	s16 =	smov.u32 @p2 s12  }
0x17: {  	s14 =	simm.s32 @p2 $0x0;
	p2 =	sgt.s32 s16, $0xFFF  }
0x18: {  	s16 =	smov.u32 @p2 s2;
	p2 =	sne.s32 s11, s7  }
.Ltmp1:
0x19: {  	p1 =	slt.u32 s11, $0x2;
	(pc) =	sbr.rel @!p2 .LBB1_6-.Ltmp1, $4  }
0x1a: {  	s15 =	simm.s32 @!p1 $0x2  }
0x1b: {  	s13 =	smov.u32 s10;
	p0 =	por !p0, !p0;
	_ =	swait.ge @!p1 [sflag:s15], $0x2000  }
0x1c: {  	s12 =	smov.u32 s9;
	[sflag:s15] =	ssyncset.done @!p1 $0x0;
	s9 =	smov.u32 s14  }
0x1d: {  	s11 =	sadd.s32 $0x1, s11;
	[sflag:s15] =	ssyncadd.s32 @!p1 $0xFFFFE000;
	s10 =	smov.u32 s16  }
.LBB1_1:
0x1e: {  	p1 =	sge.u32 s11, s5  }
0x1f: {  	s14 =	sand.u32 @!p1 $0x1FFFFFF, s9  }
0x20: {  	s15 =	smulhi.u32 @!p1 $0x4924925, s14;
	_ =	sdelay $0x1  }
0x21: {  	s15 =	smul.u32 @!p1 $0x38, s15  }
0x22: {  	s16 =	sxor.u32 @!p1 $0xFFFFFFFF, s11;
	s17 =	smul.u32 @!p1 $0x380, s10  }
0x23: {  	s31 =	sadd.s32 $0xFFFFFFFF, s11;
	s16 =	sshll.u32 @!p1 s16, $0xD;
	s14 =	ssub.s32 @!p1 s14, s15  }
0x24: {  	s15 =	sand.u32 @!p1 $0x2000, s16;
	s16 =	sadd.s32 @!p1 s6, s17;
	s14 =	sshll.u32 @!p1 s14, $0x4  }
0x25: {  	s17 =	simm.s32 @!p1 $0x1C00;
	s14 =	sadd.s32 @!p1 s14, s16;
	s16 =	simm.s32 @!p1 $0x40  }
0x26: {  	[tilespmem:s15], [sflag:$0x1] =	stream.strided.gather @!p1 [hbm4b:s14+s16], $0x2000, s17, s16, $0x38;
	[tilespmem:$0x8080] =	vst v63  }
0x27: {  	p1 =	sge.u32 s31, s5  }
.Ltmp2:
0x28: {  	_ = 	snop;
	(pc) =	sbr.rel @p1 .LBB1_5-.Ltmp2, $1  }
0x29: {  	_ =	sdelay $0x3  }
0x2a: {  	s14 =	simm.s32 $0x1  }
0x2b: {  	_ =	swait.ge [sflag:s4], $0x2000;
	s14 =	simm.s32 @!p0 $0x0  }
0x2c: {  	[sflag:s4] =	ssyncset.done $0x0;
	s15 =	sshll.u32 s14, $0xD  }
0x2d: {  	[sflag:s4] =	ssyncadd.s32 $0xFFFFE000;
	s18 =	sor.u32 $0x20, s15  }
0x2e: {  	s14 =	smul.u32 $0x8100, s14;
	v3 =	vld [tilespmem:s18+$0x10]  }
0x2f: {  	s30 =	sand.u32 $0x1, s11;
	v2 =	vld [tilespmem:s18+$0xFFFFFFF0]  }
0x30: {  	s15 =	smul.u32 $0x8100, s30;
	s14 =	sshrl.u32 s14, $0x2;
	v0 =	vld [tilespmem:s18+$0x0]  }
0x31: {  	v1 =	vld [tilespmem:s18+$0xFFFFFFE0];
	s16 =	sor.u32 $0x4000, s14  }
0x32: {  	s31 =	sshrl.u32 s15, $0x2;
	s15 =	sadd.s32 $0x0, s16  }
0x33: {  	s17 =	simm.s32 $0x4;
	s18 =	sadd.s32 $0x40, s18;
	s14 =	sor.u32 $0x4000, s31;
	[tilespmem:s15+$0x1830 ss:$0x81] =	vst.msk $0xffff, v3  }
.LBB1_3:
0x34: {  	v3 =	vld [tilespmem:s18+$0x10];
	p1 =	sne.s32 s17, $0x1FC;
	[tilespmem:s15+$0x810 ss:$0x81] =	vst.msk $0xffff, v2;
	s19 =	smov.u32 s17;
	s17 =	sadd.s32 $0x4, s17  }
.Ltmp3:
0x35: {  	v2 =	vld [tilespmem:s18+$0xFFFFFFF0];
	[tilespmem:s15+$0x1020 ss:$0x81] =	vst.msk $0xffff, v0;
	(pc) =	sbr.rel @p1 .LBB1_3-.Ltmp3, $4  }
0x36: {  	v0 =	vld [tilespmem:s18+$0x0];
	[tilespmem:s15+$0x0 ss:$0x81] =	vst.msk $0xffff, v1  }
0x37: {  	s15 =	sshra.s32 s19, $0x2;
	v1 =	vld [tilespmem:s18+$0xFFFFFFE0]  }
0x38: {  	s15 =	sadd.s32 s15, s16  }
0x39: {  	s18 =	sadd.s32 $0x40, s18;
	[tilespmem:s15+$0x1830 ss:$0x81] =	vst.msk $0xffff, v3  }
.Ltmp4:
0x3a: {  	_ = 	snop;
	(pc) =	sbr.rel .LBB1_4-.Ltmp4, $1  }
0x3b: {  	_ =	sdelay $0x3  }
.LBB1_6:
0x3c: {  	_ =	sfence.sel $0x180000  }
0x3d: {  	s2 =	simm.s32 $0x1;
	[bflag:$0x0] =	sbarrier.arrive $0xFFFF  }
0x3e: {  	s31 =	simm.s32 $0x2;
	[sflag:s2] =	ssyncpa.u1 $0x1  }
0x3f: {  	[sflag:s31] =	ssyncpa.u1 $0x1  }
0x40: {  	p0 =	sne.s32 s0, $0x0;
	_ =	strace $0x9000004D  }
0x41: {  	s0 =	sadd.s32 @!p0 $0x100000, s1;
	[bflag:$0x2] =	sbarrier.arrive $0xFFFF  }
0x42: {  	[sflag:s0] =	ssyncadd.tile.s32 @!p0 $0x1;
	_ =	shalt  }
.Lfunc_end1:
_tile_overlayer_lowered:
.L_overlay_start_2:
0x43: {  	(tag) =	ssettag $0x2  }
0x44: {  	s0 =	rddreg [dreg:$0x0];
	s2 =	stileid.u32  }
0x45: {  	s1 =	rddreg [dreg:$0x1];
	p0 =	sne.s32 s2, $0x0  }
0x46: {  	s3 =	rddreg [dreg:$0x2];
	[bflag:$0x3] =	sbarrier.arrive $0xFFFF;
	s2 =	simm.s32 @!p0 $0x1C01  }
0x47: {  	[timem:s3], [sflag:s2] =	dma.local @!p0 [hbm:s0], s1  }
0x48: {  	s0 =	simm.s32 @!p0 $0x1  }
0x49: {  	_ =	swait.ge @!p0 [sflag:s0], s1  }
0x4a: {  	s1 =	ssub.s32 @!p0 $0x0, s1;
	[sflag:s0] =	ssyncset.done @!p0 $0x0  }
0x4b: {  	[sflag:s0] =	ssyncadd.s32 @!p0 s1  }
0x4c: {  	[bflag:$0x3] =	sbarrier.arrive $0xFFFF  }
0x4d: {  	_ =	shalt  }

</sc_bundles>
